<compile_context>
chip_gen: v7x
topology: tpu7x:2x2x1
jax: 0.10.2.dev20260603
libtpu: 0.0.44.dev20260713+nightly
codegen_flags: <defaults>
</compile_context>

<pallas_src>
import functools

import jax
import jax.numpy as jnp
from jax import lax
from jax.experimental import pallas as pl
from jax.experimental.pallas import tpu as pltpu
from jax.experimental.pallas import tpu_sc as plsc

_E = 320000
_L = 16
_NC = 2
_NS = 16
_NW = _NC * _NS
_RPW = _E // _NW
_CHR = 500
_NCHUNK = _RPW // _CHR

_mesh = plsc.VectorSubcoreMesh(core_axis_name="c", subcore_axis_name="s")


@functools.partial(
    pl.kernel,
    mesh=_mesh,
    out_type=jax.ShapeDtypeStruct((_E, _L), jnp.float32),
    scratch_types=[
        pltpu.VMEM((_L,), jnp.float32),
        pltpu.VMEM((2, _CHR, _L), jnp.float32),
        pltpu.VMEM((2, _CHR, _L), jnp.float32),
        pltpu.SemaphoreType.DMA((2,)),
        pltpu.SemaphoreType.DMA((2,)),
    ],
    compiler_params=pltpu.CompilerParams(
        needs_layout_passes=False, use_tc_tiling_on_sc=False),
)
def _softmax_sc(invt_hbm, x_hbm, x_out, invt_v, buf, obuf, insem, outsem):
    wid = lax.axis_index("s") * _NC + lax.axis_index("c")
    pltpu.sync_copy(invt_hbm, invt_v)
    inv_t = invt_v[...]
    lane = lax.iota(jnp.int32, _L)
    perms = [lane ^ k for k in (1, 2, 4, 8)]
    base0 = wid * _RPW

    def softmax_rows(slot):
        @plsc.parallel_loop(0, _CHR, 1, unroll=8)
        def _rows(r):
            e = jnp.exp(buf[slot, r, :] * inv_t)
            s = e
            for p in perms:
                s = s + s.at[p].get(mode="promise_in_bounds")
            obuf[slot, r, :] = e / s

    def chunk_src(ci):
        return x_hbm.at[pl.ds(base0 + ci * _CHR, _CHR)]

    def chunk_dst(ci):
        return x_out.at[pl.ds(base0 + ci * _CHR, _CHR)]

    pltpu.async_copy(chunk_src(0), buf.at[0], insem.at[0])

    def chunk_body(ci, _):
        slot = ci % 2

        @pl.when(ci + 1 < _NCHUNK)
        def _():
            pltpu.async_copy(chunk_src(ci + 1), buf.at[1 - slot],
                             insem.at[1 - slot])

        pltpu.make_async_copy(chunk_src(ci), buf.at[slot],
                              insem.at[slot]).wait()

        @pl.when(ci >= 2)
        def _():
            pltpu.make_async_copy(obuf.at[slot], chunk_dst(ci - 2),
                                  outsem.at[slot]).wait()

        softmax_rows(slot)
        pltpu.async_copy(obuf.at[slot], chunk_dst(ci), outsem.at[slot])
        return 0

    lax.fori_loop(0, _NCHUNK, chunk_body, 0)
    for k in (_NCHUNK - 2, _NCHUNK - 1):
        pltpu.make_async_copy(obuf.at[k % 2], chunk_dst(k),
                              outsem.at[k % 2]).wait()


def kernel(hor_p, ver_p, t):
    inv_t = jnp.full((_L,), 1.0, jnp.float32) / jnp.asarray(t, jnp.float32)
    ho = _softmax_sc(inv_t, hor_p)
    vo = _softmax_sc(inv_t, ver_p)
    return (ho, vo)

# --- scband reference (transcript-rebuilt; emitter-appended) ---
"""Pipeline reference for scband-layer-assignment-net-76544907149348 (READ-ONLY COPY).

The authoritative reference and input builder live on the scoring server;
editing this copy changes nothing except your own understanding.
"""

import jax, jax.numpy as jnp
import numpy as np

HOR_E = 320000
HOR_L = 16
VER_E = 320000
VER_L = 16


def setup_inputs(seed: int = 0) -> dict:
    key = jax.random.key(seed)
    k1, k2 = jax.random.split(key)
    # Parameters as initialized in __init__: log(rand(E, L) * (L - 1))
    hor_p = jnp.log(jax.random.uniform(k1, (HOR_E, HOR_L), dtype=jnp.float32) * (HOR_L - 1))
    ver_p = jnp.log(jax.random.uniform(k2, (VER_E, VER_L), dtype=jnp.float32) * (VER_L - 1))
    t = 2  # temperature scalar (non-tensor forward arg)
    return {"hor_p": hor_p, "ver_p": ver_p, "t": t}


def reference(hor_p, ver_p, t):
    # hor_out = softmax(hor_p / t - (hor_p / t).max(), dim=1)
    h = hor_p / t
    h = h - jnp.max(h)  # global max, as in torch .max() with no dim
    hor_out = jax.nn.softmax(h, axis=1)
    v = ver_p / t
    v = v - jnp.max(v)
    ver_out = jax.nn.softmax(v, axis=1)
    # segment_hor_mask is None -> no repeat_interleave branch
    return (hor_out, ver_out)

if __name__ == "__main__":
    import jax
    _d = setup_inputs()
    print(jax.jit(kernel)(*tuple(_d.values())))

</pallas_src>

<mosaic_0001>
#map = affine_map<(d0, d1) -> (0)>
#map1 = affine_map<(d0, d1) -> (0, 0)>
module attributes {stable_mosaic.version = 14 : i64} {
  func.func @_softmax_sc(%arg0: i32, %arg1: i32, %arg2: memref<16xf32, #tpu.memory_space<hbm>>, %arg3: memref<320000x16xf32, #tpu.memory_space<hbm>>, %arg4: memref<320000x16xf32, #tpu.memory_space<hbm>>, %arg5: memref<16xf32, #tpu.memory_space<vmem>>, %arg6: memref<2x500x16xf32, #tpu.memory_space<vmem>>, %arg7: memref<2x500x16xf32, #tpu.memory_space<vmem>>, %arg8: memref<2x!tpu.dma_semaphore, #tpu.memory_space<semaphore_mem>>, %arg9: memref<2x!tpu.dma_semaphore, #tpu.memory_space<semaphore_mem>>) attributes {dimension_semantics = [#tpu.dimension_semantics<core_parallel>, #tpu.dimension_semantics<subcore_parallel>], iteration_bounds = array<i64: 2, 16>, scalar_prefetch = 0 : i64, scratch_operands = 5 : i64, tpu.core_type = #tpu.core_type<sc_vector_subcore>, window_params = [{transform_indices = #map}, {transform_indices = #map1}, {transform_indices = #map1}]} {
    %mul3A = arith.constant 2 : i32
    %mul3A_0 = arith.muli %arg1, %mul3A : i32
    %add3A = arith.addi %mul3A_0, %arg0 : i32
    "tpu.region"() ({
      %run_scoped3A = tpu.sem_alloc : memref<!tpu.dma_semaphore, #tpu.memory_space<semaphore_mem>>
      tpu.enqueue_dma source(%arg2 : memref<16xf32, #tpu.memory_space<hbm>>) target(%arg5 : memref<16xf32, #tpu.memory_space<vmem>>) target_semaphore(%run_scoped3A : memref<!tpu.dma_semaphore, #tpu.memory_space<semaphore_mem>>)
      tpu.wait_dma2 semaphore(%run_scoped3A : memref<!tpu.dma_semaphore, #tpu.memory_space<semaphore_mem>>) src(%arg2 : memref<16xf32, #tpu.memory_space<hbm>>) dst(%arg5 : memref<16xf32, #tpu.memory_space<vmem>>)
      tpu.yield
    }) : () -> ()
    %get3A = arith.constant 0 : index
    %get3A_1 = tpu.vector_load %arg5[%get3A] {strides = array<i32>} : memref<16xf32, #tpu.memory_space<vmem>>, vector<16xf32>,
    %iota3A = tpu.iota {dimensions = array<i32: 0>} : vector<16xi32>
    %xor3A = arith.constant 1 : i32
    %xor3A_2 = vector.broadcast %xor3A : i32 to vector<16xi32>
    %xor3A_3 = arith.xori %iota3A, %xor3A_2 : vector<16xi32>
    %xor3A_4 = arith.constant 2 : i32
    %xor3A_5 = vector.broadcast %xor3A_4 : i32 to vector<16xi32>
    %xor3A_6 = arith.xori %iota3A, %xor3A_5 : vector<16xi32>
    %xor3A_7 = arith.constant 4 : i32
    %xor3A_8 = vector.broadcast %xor3A_7 : i32 to vector<16xi32>
    %xor3A_9 = arith.xori %iota3A, %xor3A_8 : vector<16xi32>
    %xor3A_10 = arith.constant 8 : i32
    %xor3A_11 = vector.broadcast %xor3A_10 : i32 to vector<16xi32>
    %xor3A_12 = arith.xori %iota3A, %xor3A_11 : vector<16xi32>
    %mul3A_13 = arith.constant 10000 : i32
    %mul3A_14 = arith.muli %add3A, %mul3A_13 : i32
    %add3A_15 = arith.constant 0 : i32
    %add3A_16 = arith.addi %mul3A_14, %add3A_15 : i32
    %dma_start3A = arith.constant 0 : i32
    %dma_start3A_17 = arith.constant 0 : i32
    %dma_start3A_18 = arith.constant 0 : i32
    %dma_start3A_19 = arith.constant 0 : i32
    %dma_start3A_20 = tpu.memref_slice %arg6[%dma_start3A, %dma_start3A_18, %dma_start3A_19] : memref<2x500x16xf32, #tpu.memory_space<vmem>> -> memref<1x500x16xf32, #tpu.memory_space<vmem>>
    %dma_start3A_21 = tpu.memref_squeeze %dma_start3A_20 : memref<1x500x16xf32, #tpu.memory_space<vmem>> -> memref<500x16xf32, #tpu.memory_space<vmem>>
    %dma_start3A_22 = arith.constant 0 : i32
    %dma_start3A_23 = tpu.memref_slice %arg3[%add3A_16, %dma_start3A_22] : memref<320000x16xf32, #tpu.memory_space<hbm>> -> memref<500x16xf32, #tpu.memory_space<hbm>>
    %dma_start3A_24 = tpu.memref_slice %arg8[%dma_start3A_17] : memref<2x!tpu.dma_semaphore, #tpu.memory_space<semaphore_mem>> -> memref<1x!tpu.dma_semaphore, #tpu.memory_space<semaphore_mem>>
    %dma_start3A_25 = tpu.memref_squeeze %dma_start3A_24 : memref<1x!tpu.dma_semaphore, #tpu.memory_space<semaphore_mem>> -> memref<!tpu.dma_semaphore, #tpu.memory_space<semaphore_mem>>
    %dma_start3A_26 = arith.constant 0 : i32
    %dma_start3A_27 = arith.constant 0 : i32
    %dma_start3A_28 = tpu.memref_slice %arg6[%dma_start3A, %dma_start3A_26, %dma_start3A_27] : memref<2x500x16xf32, #tpu.memory_space<vmem>> -> memref<1x500x16xf32, #tpu.memory_space<vmem>>
    %dma_start3A_29 = tpu.memref_squeeze %dma_start3A_28 : memref<1x500x16xf32, #tpu.memory_space<vmem>> -> memref<500x16xf32, #tpu.memory_space<vmem>>
    %dma_start3A_30 = arith.constant 0 : i32
    %dma_start3A_31 = tpu.memref_slice %arg3[%add3A_16, %dma_start3A_30] : memref<320000x16xf32, #tpu.memory_space<hbm>> -> memref<500x16xf32, #tpu.memory_space<hbm>>
    tpu.enqueue_dma source(%dma_start3A_31 : memref<500x16xf32, #tpu.memory_space<hbm>>) target(%dma_start3A_29 : memref<500x16xf32, #tpu.memory_space<vmem>>) target_semaphore(%dma_start3A_25 : memref<!tpu.dma_semaphore, #tpu.memory_space<semaphore_mem>>)
    %scan3A = arith.constant 0 : i32
    %scan3A_32 = arith.constant 0 : i32
    %scan3A_33 = arith.constant 20 : i32
    %scan3A_34 = arith.addi %scan3A_32, %scan3A_33 : i32
    %scan3A_35 = arith.constant 1 : i32
    %scan3A_36 = scf.for %scan3A_73 = %scan3A_32 to %scan3A_34 step %scan3A_35 iter_args(%scan3A_74 = %scan3A) -> (i32)  : i32 {
      %jit3A = arith.constant 2 : i32
      %eq3A = arith.constant 0 : i32
      %eq3A_75 = arith.cmpi eq, %jit3A, %eq3A : i32
      %jit3A_76 = arith.constant 1 : i32
      %select_n3A = arith.select %eq3A_75, %jit3A_76, %jit3A : i32
      %rem3A = arith.remsi %scan3A_73, %select_n3A : i32
      %ne3A = arith.constant 0 : i32
      %ne3A_77 = arith.cmpi ne, %rem3A, %ne3A : i32
      %lt3A = arith.constant 0 : i32
      %lt3A_78 = arith.cmpi slt, %rem3A, %lt3A : i32
      %lt3A_79 = arith.constant 0 : i32
      %lt3A_80 = arith.cmpi slt, %select_n3A, %lt3A_79 : i32
      %ne3A_81 = arith.xori %lt3A_78, %lt3A_80 : i1
      %and3A = arith.andi %ne3A_81, %ne3A_77 : i1
      %add3A_82 = arith.addi %rem3A, %select_n3A : i32
      %select_n3A_83 = arith.select %and3A, %add3A_82, %rem3A : i32
      %add3A_84 = arith.constant 1 : i32
      %add3A_85 = arith.addi %scan3A_73, %add3A_84 : i32
      %lt3A_86 = arith.constant 20 : i32
      %lt3A_87 = arith.cmpi slt, %add3A_85, %lt3A_86 : i32
      %convert_element_type3A = arith.extui %lt3A_87 : i1 to i32
      %cond3A = arith.constant 0 : i32
      %cond3A_88 = arith.cmpi ne, %convert_element_type3A, %cond3A : i32
      scf.if %cond3A_88 {
        %add3A_130 = arith.constant 1 : i32
        %add3A_131 = arith.addi %scan3A_73, %add3A_130 : i32
        %mul3A_132 = arith.constant 500 : i32
        %mul3A_133 = arith.muli %add3A_131, %mul3A_132 : i32
        %add3A_134 = arith.addi %mul3A_14, %mul3A_133 : i32
        %sub3A = arith.constant 1 : i32
        %sub3A_135 = arith.subi %sub3A, %select_n3A_83 : i32
        %sub3A_136 = arith.constant 1 : i32
        %sub3A_137 = arith.subi %sub3A_136, %select_n3A_83 : i32
        %dma_start3A_138 = arith.constant 0 : i32
        %dma_start3A_139 = arith.constant 0 : i32
        %dma_start3A_140 = tpu.memref_slice %arg6[%sub3A_135, %dma_start3A_138, %dma_start3A_139] : memref<2x500x16xf32, #tpu.memory_space<vmem>> -> memref<1x500x16xf32, #tpu.memory_space<vmem>>
        %dma_start3A_141 = tpu.memref_squeeze %dma_start3A_140 : memref<1x500x16xf32, #tpu.memory_space<vmem>> -> memref<500x16xf32, #tpu.memory_space<vmem>>
        %dma_start3A_142 = arith.constant 0 : i32
        %dma_start3A_143 = tpu.memref_slice %arg3[%add3A_134, %dma_start3A_142] : memref<320000x16xf32, #tpu.memory_space<hbm>> -> memref<500x16xf32, #tpu.memory_space<hbm>>
        %dma_start3A_144 = tpu.memref_slice %arg8[%sub3A_137] : memref<2x!tpu.dma_semaphore, #tpu.memory_space<semaphore_mem>> -> memref<1x!tpu.dma_semaphore, #tpu.memory_space<semaphore_mem>>
        %dma_start3A_145 = tpu.memref_squeeze %dma_start3A_144 : memref<1x!tpu.dma_semaphore, #tpu.memory_space<semaphore_mem>> -> memref<!tpu.dma_semaphore, #tpu.memory_space<semaphore_mem>>
        %dma_start3A_146 = arith.constant 0 : i32
        %dma_start3A_147 = arith.constant 0 : i32
        %dma_start3A_148 = tpu.memref_slice %arg6[%sub3A_135, %dma_start3A_146, %dma_start3A_147] : memref<2x500x16xf32, #tpu.memory_space<vmem>> -> memref<1x500x16xf32, #tpu.memory_space<vmem>>
        %dma_start3A_149 = tpu.memref_squeeze %dma_start3A_148 : memref<1x500x16xf32, #tpu.memory_space<vmem>> -> memref<500x16xf32, #tpu.memory_space<vmem>>
        %dma_start3A_150 = arith.constant 0 : i32
        %dma_start3A_151 = tpu.memref_slice %arg3[%add3A_134, %dma_start3A_150] : memref<320000x16xf32, #tpu.memory_space<hbm>> -> memref<500x16xf32, #tpu.memory_space<hbm>>
        tpu.enqueue_dma source(%dma_start3A_151 : memref<500x16xf32, #tpu.memory_space<hbm>>) target(%dma_start3A_149 : memref<500x16xf32, #tpu.memory_space<vmem>>) target_semaphore(%dma_start3A_145 : memref<!tpu.dma_semaphore, #tpu.memory_space<semaphore_mem>>)
      } else {
      }
      %mul3A_89 = arith.constant 500 : i32
      %mul3A_90 = arith.muli %scan3A_73, %mul3A_89 : i32
      %add3A_91 = arith.addi %mul3A_14, %mul3A_90 : i32
      %dma_wait3A_92 = arith.constant 0 : i32
      %dma_wait3A_93 = arith.constant 0 : i32
      %dma_wait3A_94 = tpu.memref_slice %arg6[%select_n3A_83, %dma_wait3A_92, %dma_wait3A_93] : memref<2x500x16xf32, #tpu.memory_space<vmem>> -> memref<1x500x16xf32, #tpu.memory_space<vmem>>
      %dma_wait3A_95 = tpu.memref_squeeze %dma_wait3A_94 : memref<1x500x16xf32, #tpu.memory_space<vmem>> -> memref<500x16xf32, #tpu.memory_space<vmem>>
      %dma_wait3A_96 = arith.constant 0 : i32
      %dma_wait3A_97 = tpu.memref_slice %arg3[%add3A_91, %dma_wait3A_96] : memref<320000x16xf32, #tpu.memory_space<hbm>> -> memref<500x16xf32, #tpu.memory_space<hbm>>
      %dma_wait3A_98 = tpu.memref_slice %arg8[%select_n3A_83] : memref<2x!tpu.dma_semaphore, #tpu.memory_space<semaphore_mem>> -> memref<1x!tpu.dma_semaphore, #tpu.memory_space<semaphore_mem>>
      %dma_wait3A_99 = tpu.memref_squeeze %dma_wait3A_98 : memref<1x!tpu.dma_semaphore, #tpu.memory_space<semaphore_mem>> -> memref<!tpu.dma_semaphore, #tpu.memory_space<semaphore_mem>>
      %dma_wait3A_100 = arith.constant 0 : i32
      %dma_wait3A_101 = arith.constant 0 : i32
      %dma_wait3A_102 = tpu.memref_slice %arg6[%select_n3A_83, %dma_wait3A_100, %dma_wait3A_101] : memref<2x500x16xf32, #tpu.memory_space<vmem>> -> memref<1x500x16xf32, #tpu.memory_space<vmem>>
      %dma_wait3A_103 = tpu.memref_squeeze %dma_wait3A_102 : memref<1x500x16xf32, #tpu.memory_space<vmem>> -> memref<500x16xf32, #tpu.memory_space<vmem>>
      %dma_wait3A_104 = arith.constant 0 : i32
      %dma_wait3A_105 = tpu.memref_slice %arg3[%add3A_91, %dma_wait3A_104] : memref<320000x16xf32, #tpu.memory_space<hbm>> -> memref<500x16xf32, #tpu.memory_space<hbm>>
      tpu.wait_dma2 semaphore(%dma_wait3A_99 : memref<!tpu.dma_semaphore, #tpu.memory_space<semaphore_mem>>) src(%dma_wait3A_105 : memref<500x16xf32, #tpu.memory_space<hbm>>) dst(%dma_wait3A_103 : memref<500x16xf32, #tpu.memory_space<vmem>>)
      %ge3A = arith.constant 2 : i32
      %ge3A_106 = arith.cmpi sge, %scan3A_73, %ge3A : i32
      %convert_element_type3A_107 = arith.extui %ge3A_106 : i1 to i32
      %cond3A_108 = arith.constant 0 : i32
      %cond3A_109 = arith.cmpi ne, %convert_element_type3A_107, %cond3A_108 : i32
      scf.if %cond3A_109 {
        %sub3A = arith.constant 2 : i32
        %sub3A_130 = arith.subi %scan3A_73, %sub3A : i32
        %mul3A_131 = arith.constant 500 : i32
        %mul3A_132 = arith.muli %sub3A_130, %mul3A_131 : i32
        %add3A_133 = arith.addi %mul3A_14, %mul3A_132 : i32
        %dma_wait3A_134 = arith.constant 0 : i32
        %dma_wait3A_135 = arith.constant 0 : i32
        %dma_wait3A_136 = tpu.memref_slice %arg7[%select_n3A_83, %dma_wait3A_134, %dma_wait3A_135] : memref<2x500x16xf32, #tpu.memory_space<vmem>> -> memref<1x500x16xf32, #tpu.memory_space<vmem>>
        %dma_wait3A_137 = tpu.memref_squeeze %dma_wait3A_136 : memref<1x500x16xf32, #tpu.memory_space<vmem>> -> memref<500x16xf32, #tpu.memory_space<vmem>>
        %dma_wait3A_138 = arith.constant 0 : i32
        %dma_wait3A_139 = tpu.memref_slice %arg4[%add3A_133, %dma_wait3A_138] : memref<320000x16xf32, #tpu.memory_space<hbm>> -> memref<500x16xf32, #tpu.memory_space<hbm>>
        %dma_wait3A_140 = tpu.memref_slice %arg9[%select_n3A_83] : memref<2x!tpu.dma_semaphore, #tpu.memory_space<semaphore_mem>> -> memref<1x!tpu.dma_semaphore, #tpu.memory_space<semaphore_mem>>
        %dma_wait3A_141 = tpu.memref_squeeze %dma_wait3A_140 : memref<1x!tpu.dma_semaphore, #tpu.memory_space<semaphore_mem>> -> memref<!tpu.dma_semaphore, #tpu.memory_space<semaphore_mem>>
        %dma_wait3A_142 = arith.constant 0 : i32
        %dma_wait3A_143 = tpu.memref_slice %arg4[%add3A_133, %dma_wait3A_142] : memref<320000x16xf32, #tpu.memory_space<hbm>> -> memref<500x16xf32, #tpu.memory_space<hbm>>
        %dma_wait3A_144 = arith.constant 0 : i32
        %dma_wait3A_145 = arith.constant 0 : i32
        %dma_wait3A_146 = tpu.memref_slice %arg7[%select_n3A_83, %dma_wait3A_144, %dma_wait3A_145] : memref<2x500x16xf32, #tpu.memory_space<vmem>> -> memref<1x500x16xf32, #tpu.memory_space<vmem>>
        %dma_wait3A_147 = tpu.memref_squeeze %dma_wait3A_146 : memref<1x500x16xf32, #tpu.memory_space<vmem>> -> memref<500x16xf32, #tpu.memory_space<vmem>>
        tpu.wait_dma2 semaphore(%dma_wait3A_141 : memref<!tpu.dma_semaphore, #tpu.memory_space<semaphore_mem>>) src(%dma_wait3A_147 : memref<500x16xf32, #tpu.memory_space<vmem>>) dst(%dma_wait3A_143 : memref<500x16xf32, #tpu.memory_space<hbm>>)
      } else {
      }
      %parallel_loop3A = arith.constant 0 : i32
      %parallel_loop3A_110 = arith.constant 500 : i32
      %parallel_loop3A_111 = arith.constant 1 : i32
      scf.for %parallel_loop3A_130 = %parallel_loop3A to %parallel_loop3A_110 step %parallel_loop3A_111  : i32 {
        %parallel_loop3A_131 = arith.index_cast %select_n3A_83 : i32 to index
        %parallel_loop3A_132 = arith.index_cast %parallel_loop3A_130 : i32 to index
        %parallel_loop3A_133 = arith.constant 0 : index
        %parallel_loop3A_134 = tpu.vector_load %arg6[%parallel_loop3A_131, %parallel_loop3A_132, %parallel_loop3A_133] {strides = array<i32>} : memref<2x500x16xf32, #tpu.memory_space<vmem>>, vector<16xf32>,
        %parallel_loop3A_135 = arith.mulf %parallel_loop3A_134, %get3A_1 : vector<16xf32>
        %parallel_loop3A_136 = math.exp %parallel_loop3A_135 : vector<16xf32>
        %parallel_loop3A_137 = arith.constant 0 : i32
        %parallel_loop3A_138 = vector.broadcast %parallel_loop3A_137 : i32 to vector<16xi32>
        %parallel_loop3A_139 = arith.cmpi slt, %xor3A_3, %parallel_loop3A_138 : vector<16xi32>
        %parallel_loop3A_140 = arith.constant 16 : i32
        %parallel_loop3A_141 = vector.broadcast %parallel_loop3A_140 : i32 to vector<16xi32>
        %parallel_loop3A_142 = arith.addi %xor3A_3, %parallel_loop3A_141 : vector<16xi32>
        %parallel_loop3A_143 = arith.select %parallel_loop3A_139, %parallel_loop3A_142, %xor3A_3 : vector<16xi1>, vector<16xi32>
        %parallel_loop3A_144 = vector.shape_cast %parallel_loop3A_143 : vector<16xi32> to vector<16x1xi32>
        %parallel_loop3A_145 = vector.shape_cast %parallel_loop3A_144 : vector<16x1xi32> to vector<16xi32>
        %parallel_loop3A_146 = tpu.dynamic_gather %parallel_loop3A_136[%parallel_loop3A_145] in [0] : vector<16xf32>, vector<16xi32> -> vector<16xf32>
        %parallel_loop3A_147 = arith.addf %parallel_loop3A_136, %parallel_loop3A_146 : vector<16xf32>
        %parallel_loop3A_148 = arith.constant 0 : i32
        %parallel_loop3A_149 = vector.broadcast %parallel_loop3A_148 : i32 to vector<16xi32>
        %parallel_loop3A_150 = arith.cmpi slt, %xor3A_6, %parallel_loop3A_149 : vector<16xi32>
        %parallel_loop3A_151 = arith.constant 16 : i32
        %parallel_loop3A_152 = vector.broadcast %parallel_loop3A_151 : i32 to vector<16xi32>
        %parallel_loop3A_153 = arith.addi %xor3A_6, %parallel_loop3A_152 : vector<16xi32>
        %parallel_loop3A_154 = arith.select %parallel_loop3A_150, %parallel_loop3A_153, %xor3A_6 : vector<16xi1>, vector<16xi32>
        %parallel_loop3A_155 = vector.shape_cast %parallel_loop3A_154 : vector<16xi32> to vector<16x1xi32>
        %parallel_loop3A_156 = vector.shape_cast %parallel_loop3A_155 : vector<16x1xi32> to vector<16xi32>
        %parallel_loop3A_157 = tpu.dynamic_gather %parallel_loop3A_147[%parallel_loop3A_156] in [0] : vector<16xf32>, vector<16xi32> -> vector<16xf32>
        %parallel_loop3A_158 = arith.addf %parallel_loop3A_147, %parallel_loop3A_157 : vector<16xf32>
        %parallel_loop3A_159 = arith.constant 0 : i32
        %parallel_loop3A_160 = vector.broadcast %parallel_loop3A_159 : i32 to vector<16xi32>
        %parallel_loop3A_161 = arith.cmpi slt, %xor3A_9, %parallel_loop3A_160 : vector<16xi32>
        %parallel_loop3A_162 = arith.constant 16 : i32
        %parallel_loop3A_163 = vector.broadcast %parallel_loop3A_162 : i32 to vector<16xi32>
        %parallel_loop3A_164 = arith.addi %xor3A_9, %parallel_loop3A_163 : vector<16xi32>
        %parallel_loop3A_165 = arith.select %parallel_loop3A_161, %parallel_loop3A_164, %xor3A_9 : vector<16xi1>, vector<16xi32>
        %parallel_loop3A_166 = vector.shape_cast %parallel_loop3A_165 : vector<16xi32> to vector<16x1xi32>
        %parallel_loop3A_167 = vector.shape_cast %parallel_loop3A_166 : vector<16x1xi32> to vector<16xi32>
        %parallel_loop3A_168 = tpu.dynamic_gather %parallel_loop3A_158[%parallel_loop3A_167] in [0] : vector<16xf32>, vector<16xi32> -> vector<16xf32>
        %parallel_loop3A_169 = arith.addf %parallel_loop3A_158, %parallel_loop3A_168 : vector<16xf32>
        %parallel_loop3A_170 = arith.constant 0 : i32
        %parallel_loop3A_171 = vector.broadcast %parallel_loop3A_170 : i32 to vector<16xi32>
        %parallel_loop3A_172 = arith.cmpi slt, %xor3A_12, %parallel_loop3A_171 : vector<16xi32>
        %parallel_loop3A_173 = arith.constant 16 : i32
        %parallel_loop3A_174 = vector.broadcast %parallel_loop3A_173 : i32 to vector<16xi32>
        %parallel_loop3A_175 = arith.addi %xor3A_12, %parallel_loop3A_174 : vector<16xi32>
        %parallel_loop3A_176 = arith.select %parallel_loop3A_172, %parallel_loop3A_175, %xor3A_12 : vector<16xi1>, vector<16xi32>
        %parallel_loop3A_177 = vector.shape_cast %parallel_loop3A_176 : vector<16xi32> to vector<16x1xi32>
        %parallel_loop3A_178 = vector.shape_cast %parallel_loop3A_177 : vector<16x1xi32> to vector<16xi32>
        %parallel_loop3A_179 = tpu.dynamic_gather %parallel_loop3A_169[%parallel_loop3A_178] in [0] : vector<16xf32>, vector<16xi32> -> vector<16xf32>
        %parallel_loop3A_180 = arith.addf %parallel_loop3A_169, %parallel_loop3A_179 : vector<16xf32>
        %parallel_loop3A_181 = arith.divf %parallel_loop3A_136, %parallel_loop3A_180 : vector<16xf32>
        %parallel_loop3A_182 = arith.index_cast %select_n3A_83 : i32 to index
        %parallel_loop3A_183 = arith.index_cast %parallel_loop3A_130 : i32 to index
        %parallel_loop3A_184 = arith.constant 0 : index
        %parallel_loop3A_185 = tpu.vector_load %arg7[%parallel_loop3A_182, %parallel_loop3A_183, %parallel_loop3A_184] {strides = array<i32>} : memref<2x500x16xf32, #tpu.memory_space<vmem>>, vector<16xf32>,
        tpu.vector_store %arg7[%parallel_loop3A_182, %parallel_loop3A_183, %parallel_loop3A_184], %parallel_loop3A_181 {strides = array<i32>} : memref<2x500x16xf32, #tpu.memory_space<vmem>>, vector<16xf32>,
      } {sc.loop_unroll_factor = 8 : i64, sc.parallel_access}
      %mul3A_112 = arith.constant 500 : i32
      %mul3A_113 = arith.muli %scan3A_73, %mul3A_112 : i32
      %add3A_114 = arith.addi %mul3A_14, %mul3A_113 : i32
      %dma_start3A_115 = arith.constant 0 : i32
      %dma_start3A_116 = arith.constant 0 : i32
      %dma_start3A_117 = tpu.memref_slice %arg7[%select_n3A_83, %dma_start3A_115, %dma_start3A_116] : memref<2x500x16xf32, #tpu.memory_space<vmem>> -> memref<1x500x16xf32, #tpu.memory_space<vmem>>
      %dma_start3A_118 = tpu.memref_squeeze %dma_start3A_117 : memref<1x500x16xf32, #tpu.memory_space<vmem>> -> memref<500x16xf32, #tpu.memory_space<vmem>>
      %dma_start3A_119 = arith.constant 0 : i32
      %dma_start3A_120 = tpu.memref_slice %arg4[%add3A_114, %dma_start3A_119] : memref<320000x16xf32, #tpu.memory_space<hbm>> -> memref<500x16xf32, #tpu.memory_space<hbm>>
      %dma_start3A_121 = tpu.memref_slice %arg9[%select_n3A_83] : memref<2x!tpu.dma_semaphore, #tpu.memory_space<semaphore_mem>> -> memref<1x!tpu.dma_semaphore, #tpu.memory_space<semaphore_mem>>
      %dma_start3A_122 = tpu.memref_squeeze %dma_start3A_121 : memref<1x!tpu.dma_semaphore, #tpu.memory_space<semaphore_mem>> -> memref<!tpu.dma_semaphore, #tpu.memory_space<semaphore_mem>>
      %dma_start3A_123 = arith.constant 0 : i32
      %dma_start3A_124 = tpu.memref_slice %arg4[%add3A_114, %dma_start3A_123] : memref<320000x16xf32, #tpu.memory_space<hbm>> -> memref<500x16xf32, #tpu.memory_space<hbm>>
      %dma_start3A_125 = arith.constant 0 : i32
      %dma_start3A_126 = arith.constant 0 : i32
      %dma_start3A_127 = tpu.memref_slice %arg7[%select_n3A_83, %dma_start3A_125, %dma_start3A_126] : memref<2x500x16xf32, #tpu.memory_space<vmem>> -> memref<1x500x16xf32, #tpu.memory_space<vmem>>
      %dma_start3A_128 = tpu.memref_squeeze %dma_start3A_127 : memref<1x500x16xf32, #tpu.memory_space<vmem>> -> memref<500x16xf32, #tpu.memory_space<vmem>>
      tpu.enqueue_dma source(%dma_start3A_128 : memref<500x16xf32, #tpu.memory_space<vmem>>) target(%dma_start3A_124 : memref<500x16xf32, #tpu.memory_space<hbm>>) target_semaphore(%dma_start3A_122 : memref<!tpu.dma_semaphore, #tpu.memory_space<semaphore_mem>>)
      %scan3A_129 = arith.constant 0 : i32
      scf.yield %scan3A_129 : i32
    }
    %scan3A_37 = arith.constant 20 : i32
    %add3A_38 = arith.constant 9000 : i32
    %add3A_39 = arith.addi %mul3A_14, %add3A_38 : i32
    %dma_wait3A = arith.constant 0 : i32
    %dma_wait3A_40 = arith.constant 0 : i32
    %dma_wait3A_41 = arith.constant 0 : i32
    %dma_wait3A_42 = arith.constant 0 : i32
    %dma_wait3A_43 = tpu.memref_slice %arg7[%dma_wait3A, %dma_wait3A_41, %dma_wait3A_42] : memref<2x500x16xf32, #tpu.memory_space<vmem>> -> memref<1x500x16xf32, #tpu.memory_space<vmem>>
    %dma_wait3A_44 = tpu.memref_squeeze %dma_wait3A_43 : memref<1x500x16xf32, #tpu.memory_space<vmem>> -> memref<500x16xf32, #tpu.memory_space<vmem>>
    %dma_wait3A_45 = arith.constant 0 : i32
    %dma_wait3A_46 = tpu.memref_slice %arg4[%add3A_39, %dma_wait3A_45] : memref<320000x16xf32, #tpu.memory_space<hbm>> -> memref<500x16xf32, #tpu.memory_space<hbm>>
    %dma_wait3A_47 = tpu.memref_slice %arg9[%dma_wait3A_40] : memref<2x!tpu.dma_semaphore, #tpu.memory_space<semaphore_mem>> -> memref<1x!tpu.dma_semaphore, #tpu.memory_space<semaphore_mem>>
    %dma_wait3A_48 = tpu.memref_squeeze %dma_wait3A_47 : memref<1x!tpu.dma_semaphore, #tpu.memory_space<semaphore_mem>> -> memref<!tpu.dma_semaphore, #tpu.memory_space<semaphore_mem>>
    %dma_wait3A_49 = arith.constant 0 : i32
    %dma_wait3A_50 = tpu.memref_slice %arg4[%add3A_39, %dma_wait3A_49] : memref<320000x16xf32, #tpu.memory_space<hbm>> -> memref<500x16xf32, #tpu.memory_space<hbm>>
    %dma_wait3A_51 = arith.constant 0 : i32
    %dma_wait3A_52 = arith.constant 0 : i32
    %dma_wait3A_53 = tpu.memref_slice %arg7[%dma_wait3A, %dma_wait3A_51, %dma_wait3A_52] : memref<2x500x16xf32, #tpu.memory_space<vmem>> -> memref<1x500x16xf32, #tpu.memory_space<vmem>>
    %dma_wait3A_54 = tpu.memref_squeeze %dma_wait3A_53 : memref<1x500x16xf32, #tpu.memory_space<vmem>> -> memref<500x16xf32, #tpu.memory_space<vmem>>
    tpu.wait_dma2 semaphore(%dma_wait3A_48 : memref<!tpu.dma_semaphore, #tpu.memory_space<semaphore_mem>>) src(%dma_wait3A_54 : memref<500x16xf32, #tpu.memory_space<vmem>>) dst(%dma_wait3A_50 : memref<500x16xf32, #tpu.memory_space<hbm>>)
    %add3A_55 = arith.constant 9500 : i32
    %add3A_56 = arith.addi %mul3A_14, %add3A_55 : i32
    %dma_wait3A_57 = arith.constant 1 : i32
    %dma_wait3A_58 = arith.constant 1 : i32
    %dma_wait3A_59 = arith.constant 0 : i32
    %dma_wait3A_60 = arith.constant 0 : i32
    %dma_wait3A_61 = tpu.memref_slice %arg7[%dma_wait3A_57, %dma_wait3A_59, %dma_wait3A_60] : memref<2x500x16xf32, #tpu.memory_space<vmem>> -> memref<1x500x16xf32, #tpu.memory_space<vmem>>
    %dma_wait3A_62 = tpu.memref_squeeze %dma_wait3A_61 : memref<1x500x16xf32, #tpu.memory_space<vmem>> -> memref<500x16xf32, #tpu.memory_space<vmem>>
    %dma_wait3A_63 = arith.constant 0 : i32
    %dma_wait3A_64 = tpu.memref_slice %arg4[%add3A_56, %dma_wait3A_63] : memref<320000x16xf32, #tpu.memory_space<hbm>> -> memref<500x16xf32, #tpu.memory_space<hbm>>
    %dma_wait3A_65 = tpu.memref_slice %arg9[%dma_wait3A_58] : memref<2x!tpu.dma_semaphore, #tpu.memory_space<semaphore_mem>> -> memref<1x!tpu.dma_semaphore, #tpu.memory_space<semaphore_mem>>
    %dma_wait3A_66 = tpu.memref_squeeze %dma_wait3A_65 : memref<1x!tpu.dma_semaphore, #tpu.memory_space<semaphore_mem>> -> memref<!tpu.dma_semaphore, #tpu.memory_space<semaphore_mem>>
    %dma_wait3A_67 = arith.constant 0 : i32
    %dma_wait3A_68 = tpu.memref_slice %arg4[%add3A_56, %dma_wait3A_67] : memref<320000x16xf32, #tpu.memory_space<hbm>> -> memref<500x16xf32, #tpu.memory_space<hbm>>
    %dma_wait3A_69 = arith.constant 0 : i32
    %dma_wait3A_70 = arith.constant 0 : i32
    %dma_wait3A_71 = tpu.memref_slice %arg7[%dma_wait3A_57, %dma_wait3A_69, %dma_wait3A_70] : memref<2x500x16xf32, #tpu.memory_space<vmem>> -> memref<1x500x16xf32, #tpu.memory_space<vmem>>
    %dma_wait3A_72 = tpu.memref_squeeze %dma_wait3A_71 : memref<1x500x16xf32, #tpu.memory_space<vmem>> -> memref<500x16xf32, #tpu.memory_space<vmem>>
    tpu.wait_dma2 semaphore(%dma_wait3A_66 : memref<!tpu.dma_semaphore, #tpu.memory_space<semaphore_mem>>) src(%dma_wait3A_72 : memref<500x16xf32, #tpu.memory_space<vmem>>) dst(%dma_wait3A_68 : memref<500x16xf32, #tpu.memory_space<hbm>>)
    return
  }
}

#map = affine_map<(d0, d1) -> (0)>
#map1 = affine_map<(d0, d1) -> (0, 0)>
module attributes {stable_mosaic.version = 14 : i64} {
  func.func @_softmax_sc(%arg0: i32, %arg1: i32, %arg2: memref<16xf32, #tpu.memory_space<hbm>>, %arg3: memref<320000x16xf32, #tpu.memory_space<hbm>>, %arg4: memref<320000x16xf32, #tpu.memory_space<hbm>>, %arg5: memref<16xf32, #tpu.memory_space<vmem>>, %arg6: memref<2x500x16xf32, #tpu.memory_space<vmem>>, %arg7: memref<2x500x16xf32, #tpu.memory_space<vmem>>, %arg8: memref<2x!tpu.dma_semaphore, #tpu.memory_space<semaphore_mem>>, %arg9: memref<2x!tpu.dma_semaphore, #tpu.memory_space<semaphore_mem>>) attributes {dimension_semantics = [#tpu.dimension_semantics<core_parallel>, #tpu.dimension_semantics<subcore_parallel>], iteration_bounds = array<i64: 2, 16>, scalar_prefetch = 0 : i64, scratch_operands = 5 : i64, tpu.core_type = #tpu.core_type<sc_vector_subcore>, window_params = [{transform_indices = #map}, {transform_indices = #map1}, {transform_indices = #map1}]} {
    %mul3A = arith.constant 2 : i32
    %mul3A_0 = arith.muli %arg1, %mul3A : i32
    %add3A = arith.addi %mul3A_0, %arg0 : i32
    "tpu.region"() ({
      %run_scoped3A = tpu.sem_alloc : memref<!tpu.dma_semaphore, #tpu.memory_space<semaphore_mem>>
      tpu.enqueue_dma source(%arg2 : memref<16xf32, #tpu.memory_space<hbm>>) target(%arg5 : memref<16xf32, #tpu.memory_space<vmem>>) target_semaphore(%run_scoped3A : memref<!tpu.dma_semaphore, #tpu.memory_space<semaphore_mem>>)
      tpu.wait_dma2 semaphore(%run_scoped3A : memref<!tpu.dma_semaphore, #tpu.memory_space<semaphore_mem>>) src(%arg2 : memref<16xf32, #tpu.memory_space<hbm>>) dst(%arg5 : memref<16xf32, #tpu.memory_space<vmem>>)
      tpu.yield
    }) : () -> ()
    %get3A = arith.constant 0 : index
    %get3A_1 = tpu.vector_load %arg5[%get3A] {strides = array<i32>} : memref<16xf32, #tpu.memory_space<vmem>>, vector<16xf32>,
    %iota3A = tpu.iota {dimensions = array<i32: 0>} : vector<16xi32>
    %xor3A = arith.constant 1 : i32
    %xor3A_2 = vector.broadcast %xor3A : i32 to vector<16xi32>
    %xor3A_3 = arith.xori %iota3A, %xor3A_2 : vector<16xi32>
    %xor3A_4 = arith.constant 2 : i32
    %xor3A_5 = vector.broadcast %xor3A_4 : i32 to vector<16xi32>
    %xor3A_6 = arith.xori %iota3A, %xor3A_5 : vector<16xi32>
    %xor3A_7 = arith.constant 4 : i32
    %xor3A_8 = vector.broadcast %xor3A_7 : i32 to vector<16xi32>
    %xor3A_9 = arith.xori %iota3A, %xor3A_8 : vector<16xi32>
    %xor3A_10 = arith.constant 8 : i32
    %xor3A_11 = vector.broadcast %xor3A_10 : i32 to vector<16xi32>
    %xor3A_12 = arith.xori %iota3A, %xor3A_11 : vector<16xi32>
    %mul3A_13 = arith.constant 10000 : i32
    %mul3A_14 = arith.muli %add3A, %mul3A_13 : i32
    %add3A_15 = arith.constant 0 : i32
    %add3A_16 = arith.addi %mul3A_14, %add3A_15 : i32
    %dma_start3A = arith.constant 0 : i32
    %dma_start3A_17 = arith.constant 0 : i32
    %dma_start3A_18 = arith.constant 0 : i32
    %dma_start3A_19 = arith.constant 0 : i32
    %dma_start3A_20 = tpu.memref_slice %arg6[%dma_start3A, %dma_start3A_18, %dma_start3A_19] : memref<2x500x16xf32, #tpu.memory_space<vmem>> -> memref<1x500x16xf32, #tpu.memory_space<vmem>>
    %dma_start3A_21 = tpu.memref_squeeze %dma_start3A_20 : memref<1x500x16xf32, #tpu.memory_space<vmem>> -> memref<500x16xf32, #tpu.memory_space<vmem>>
    %dma_start3A_22 = arith.constant 0 : i32
    %dma_start3A_23 = tpu.memref_slice %arg3[%add3A_16, %dma_start3A_22] : memref<320000x16xf32, #tpu.memory_space<hbm>> -> memref<500x16xf32, #tpu.memory_space<hbm>>
    %dma_start3A_24 = tpu.memref_slice %arg8[%dma_start3A_17] : memref<2x!tpu.dma_semaphore, #tpu.memory_space<semaphore_mem>> -> memref<1x!tpu.dma_semaphore, #tpu.memory_space<semaphore_mem>>
    %dma_start3A_25 = tpu.memref_squeeze %dma_start3A_24 : memref<1x!tpu.dma_semaphore, #tpu.memory_space<semaphore_mem>> -> memref<!tpu.dma_semaphore, #tpu.memory_space<semaphore_mem>>
    %dma_start3A_26 = arith.constant 0 : i32
    %dma_start3A_27 = arith.constant 0 : i32
    %dma_start3A_28 = tpu.memref_slice %arg6[%dma_start3A, %dma_start3A_26, %dma_start3A_27] : memref<2x500x16xf32, #tpu.memory_space<vmem>> -> memref<1x500x16xf32, #tpu.memory_space<vmem>>
    %dma_start3A_29 = tpu.memref_squeeze %dma_start3A_28 : memref<1x500x16xf32, #tpu.memory_space<vmem>> -> memref<500x16xf32, #tpu.memory_space<vmem>>
    %dma_start3A_30 = arith.constant 0 : i32
    %dma_start3A_31 = tpu.memref_slice %arg3[%add3A_16, %dma_start3A_30] : memref<320000x16xf32, #tpu.memory_space<hbm>> -> memref<500x16xf32, #tpu.memory_space<hbm>>
    tpu.enqueue_dma source(%dma_start3A_31 : memref<500x16xf32, #tpu.memory_space<hbm>>) target(%dma_start3A_29 : memref<500x16xf32, #tpu.memory_space<vmem>>) target_semaphore(%dma_start3A_25 : memref<!tpu.dma_semaphore, #tpu.memory_space<semaphore_mem>>)
    %scan3A = arith.constant 0 : i32
    %scan3A_32 = arith.constant 0 : i32
    %scan3A_33 = arith.constant 20 : i32
    %scan3A_34 = arith.addi %scan3A_32, %scan3A_33 : i32
    %scan3A_35 = arith.constant 1 : i32
    %scan3A_36 = scf.for %scan3A_73 = %scan3A_32 to %scan3A_34 step %scan3A_35 iter_args(%scan3A_74 = %scan3A) -> (i32)  : i32 {
      %jit3A = arith.constant 2 : i32
      %eq3A = arith.constant 0 : i32
      %eq3A_75 = arith.cmpi eq, %jit3A, %eq3A : i32
      %jit3A_76 = arith.constant 1 : i32
      %select_n3A = arith.select %eq3A_75, %jit3A_76, %jit3A : i32
      %rem3A = arith.remsi %scan3A_73, %select_n3A : i32
      %ne3A = arith.constant 0 : i32
      %ne3A_77 = arith.cmpi ne, %rem3A, %ne3A : i32
      %lt3A = arith.constant 0 : i32
      %lt3A_78 = arith.cmpi slt, %rem3A, %lt3A : i32
      %lt3A_79 = arith.constant 0 : i32
      %lt3A_80 = arith.cmpi slt, %select_n3A, %lt3A_79 : i32
      %ne3A_81 = arith.xori %lt3A_78, %lt3A_80 : i1
      %and3A = arith.andi %ne3A_81, %ne3A_77 : i1
      %add3A_82 = arith.addi %rem3A, %select_n3A : i32
      %select_n3A_83 = arith.select %and3A, %add3A_82, %rem3A : i32
      %add3A_84 = arith.constant 1 : i32
      %add3A_85 = arith.addi %scan3A_73, %add3A_84 : i32
      %lt3A_86 = arith.constant 20 : i32
      %lt3A_87 = arith.cmpi slt, %add3A_85, %lt3A_86 : i32
      %convert_element_type3A = arith.extui %lt3A_87 : i1 to i32
      %cond3A = arith.constant 0 : i32
      %cond3A_88 = arith.cmpi ne, %convert_element_type3A, %cond3A : i32
      scf.if %cond3A_88 {
        %add3A_130 = arith.constant 1 : i32
        %add3A_131 = arith.addi %scan3A_73, %add3A_130 : i32
        %mul3A_132 = arith.constant 500 : i32
        %mul3A_133 = arith.muli %add3A_131, %mul3A_132 : i32
        %add3A_134 = arith.addi %mul3A_14, %mul3A_133 : i32
        %sub3A = arith.constant 1 : i32
        %sub3A_135 = arith.subi %sub3A, %select_n3A_83 : i32
        %sub3A_136 = arith.constant 1 : i32
        %sub3A_137 = arith.subi %sub3A_136, %select_n3A_83 : i32
        %dma_start3A_138 = arith.constant 0 : i32
        %dma_start3A_139 = arith.constant 0 : i32
        %dma_start3A_140 = tpu.memref_slice %arg6[%sub3A_135, %dma_start3A_138, %dma_start3A_139] : memref<2x500x16xf32, #tpu.memory_space<vmem>> -> memref<1x500x16xf32, #tpu.memory_space<vmem>>
        %dma_start3A_141 = tpu.memref_squeeze %dma_start3A_140 : memref<1x500x16xf32, #tpu.memory_space<vmem>> -> memref<500x16xf32, #tpu.memory_space<vmem>>
        %dma_start3A_142 = arith.constant 0 : i32
        %dma_start3A_143 = tpu.memref_slice %arg3[%add3A_134, %dma_start3A_142] : memref<320000x16xf32, #tpu.memory_space<hbm>> -> memref<500x16xf32, #tpu.memory_space<hbm>>
        %dma_start3A_144 = tpu.memref_slice %arg8[%sub3A_137] : memref<2x!tpu.dma_semaphore, #tpu.memory_space<semaphore_mem>> -> memref<1x!tpu.dma_semaphore, #tpu.memory_space<semaphore_mem>>
        %dma_start3A_145 = tpu.memref_squeeze %dma_start3A_144 : memref<1x!tpu.dma_semaphore, #tpu.memory_space<semaphore_mem>> -> memref<!tpu.dma_semaphore, #tpu.memory_space<semaphore_mem>>
        %dma_start3A_146 = arith.constant 0 : i32
        %dma_start3A_147 = arith.constant 0 : i32
        %dma_start3A_148 = tpu.memref_slice %arg6[%sub3A_135, %dma_start3A_146, %dma_start3A_147] : memref<2x500x16xf32, #tpu.memory_space<vmem>> -> memref<1x500x16xf32, #tpu.memory_space<vmem>>
        %dma_start3A_149 = tpu.memref_squeeze %dma_start3A_148 : memref<1x500x16xf32, #tpu.memory_space<vmem>> -> memref<500x16xf32, #tpu.memory_space<vmem>>
        %dma_start3A_150 = arith.constant 0 : i32
        %dma_start3A_151 = tpu.memref_slice %arg3[%add3A_134, %dma_start3A_150] : memref<320000x16xf32, #tpu.memory_space<hbm>> -> memref<500x16xf32, #tpu.memory_space<hbm>>
        tpu.enqueue_dma source(%dma_start3A_151 : memref<500x16xf32, #tpu.memory_space<hbm>>) target(%dma_start3A_149 : memref<500x16xf32, #tpu.memory_space<vmem>>) target_semaphore(%dma_start3A_145 : memref<!tpu.dma_semaphore, #tpu.memory_space<semaphore_mem>>)
      } else {
      }
      %mul3A_89 = arith.constant 500 : i32
      %mul3A_90 = arith.muli %scan3A_73, %mul3A_89 : i32
      %add3A_91 = arith.addi %mul3A_14, %mul3A_90 : i32
      %dma_wait3A_92 = arith.constant 0 : i32
      %dma_wait3A_93 = arith.constant 0 : i32
      %dma_wait3A_94 = tpu.memref_slice %arg6[%select_n3A_83, %dma_wait3A_92, %dma_wait3A_93] : memref<2x500x16xf32, #tpu.memory_space<vmem>> -> memref<1x500x16xf32, #tpu.memory_space<vmem>>
      %dma_wait3A_95 = tpu.memref_squeeze %dma_wait3A_94 : memref<1x500x16xf32, #tpu.memory_space<vmem>> -> memref<500x16xf32, #tpu.memory_space<vmem>>
      %dma_wait3A_96 = arith.constant 0 : i32
      %dma_wait3A_97 = tpu.memref_slice %arg3[%add3A_91, %dma_wait3A_96] : memref<320000x16xf32, #tpu.memory_space<hbm>> -> memref<500x16xf32, #tpu.memory_space<hbm>>
      %dma_wait3A_98 = tpu.memref_slice %arg8[%select_n3A_83] : memref<2x!tpu.dma_semaphore, #tpu.memory_space<semaphore_mem>> -> memref<1x!tpu.dma_semaphore, #tpu.memory_space<semaphore_mem>>
      %dma_wait3A_99 = tpu.memref_squeeze %dma_wait3A_98 : memref<1x!tpu.dma_semaphore, #tpu.memory_space<semaphore_mem>> -> memref<!tpu.dma_semaphore, #tpu.memory_space<semaphore_mem>>
      %dma_wait3A_100 = arith.constant 0 : i32
      %dma_wait3A_101 = arith.constant 0 : i32
      %dma_wait3A_102 = tpu.memref_slice %arg6[%select_n3A_83, %dma_wait3A_100, %dma_wait3A_101] : memref<2x500x16xf32, #tpu.memory_space<vmem>> -> memref<1x500x16xf32, #tpu.memory_space<vmem>>
      %dma_wait3A_103 = tpu.memref_squeeze %dma_wait3A_102 : memref<1x500x16xf32, #tpu.memory_space<vmem>> -> memref<500x16xf32, #tpu.memory_space<vmem>>
      %dma_wait3A_104 = arith.constant 0 : i32
      %dma_wait3A_105 = tpu.memref_slice %arg3[%add3A_91, %dma_wait3A_104] : memref<320000x16xf32, #tpu.memory_space<hbm>> -> memref<500x16xf32, #tpu.memory_space<hbm>>
      tpu.wait_dma2 semaphore(%dma_wait3A_99 : memref<!tpu.dma_semaphore, #tpu.memory_space<semaphore_mem>>) src(%dma_wait3A_105 : memref<500x16xf32, #tpu.memory_space<hbm>>) dst(%dma_wait3A_103 : memref<500x16xf32, #tpu.memory_space<vmem>>)
      %ge3A = arith.constant 2 : i32
      %ge3A_106 = arith.cmpi sge, %scan3A_73, %ge3A : i32
      %convert_element_type3A_107 = arith.extui %ge3A_106 : i1 to i32
      %cond3A_108 = arith.constant 0 : i32
      %cond3A_109 = arith.cmpi ne, %convert_element_type3A_107, %cond3A_108 : i32
      scf.if %cond3A_109 {
        %sub3A = arith.constant 2 : i32
        %sub3A_130 = arith.subi %scan3A_73, %sub3A : i32
        %mul3A_131 = arith.constant 500 : i32
        %mul3A_132 = arith.muli %sub3A_130, %mul3A_131 : i32
        %add3A_133 = arith.addi %mul3A_14, %mul3A_132 : i32
        %dma_wait3A_134 = arith.constant 0 : i32
        %dma_wait3A_135 = arith.constant 0 : i32
        %dma_wait3A_136 = tpu.memref_slice %arg7[%select_n3A_83, %dma_wait3A_134, %dma_wait3A_135] : memref<2x500x16xf32, #tpu.memory_space<vmem>> -> memref<1x500x16xf32, #tpu.memory_space<vmem>>
        %dma_wait3A_137 = tpu.memref_squeeze %dma_wait3A_136 : memref<1x500x16xf32, #tpu.memory_space<vmem>> -> memref<500x16xf32, #tpu.memory_space<vmem>>
        %dma_wait3A_138 = arith.constant 0 : i32
        %dma_wait3A_139 = tpu.memref_slice %arg4[%add3A_133, %dma_wait3A_138] : memref<320000x16xf32, #tpu.memory_space<hbm>> -> memref<500x16xf32, #tpu.memory_space<hbm>>
        %dma_wait3A_140 = tpu.memref_slice %arg9[%select_n3A_83] : memref<2x!tpu.dma_semaphore, #tpu.memory_space<semaphore_mem>> -> memref<1x!tpu.dma_semaphore, #tpu.memory_space<semaphore_mem>>
        %dma_wait3A_141 = tpu.memref_squeeze %dma_wait3A_140 : memref<1x!tpu.dma_semaphore, #tpu.memory_space<semaphore_mem>> -> memref<!tpu.dma_semaphore, #tpu.memory_space<semaphore_mem>>
        %dma_wait3A_142 = arith.constant 0 : i32
        %dma_wait3A_143 = tpu.memref_slice %arg4[%add3A_133, %dma_wait3A_142] : memref<320000x16xf32, #tpu.memory_space<hbm>> -> memref<500x16xf32, #tpu.memory_space<hbm>>
        %dma_wait3A_144 = arith.constant 0 : i32
        %dma_wait3A_145 = arith.constant 0 : i32
        %dma_wait3A_146 = tpu.memref_slice %arg7[%select_n3A_83, %dma_wait3A_144, %dma_wait3A_145] : memref<2x500x16xf32, #tpu.memory_space<vmem>> -> memref<1x500x16xf32, #tpu.memory_space<vmem>>
        %dma_wait3A_147 = tpu.memref_squeeze %dma_wait3A_146 : memref<1x500x16xf32, #tpu.memory_space<vmem>> -> memref<500x16xf32, #tpu.memory_space<vmem>>
        tpu.wait_dma2 semaphore(%dma_wait3A_141 : memref<!tpu.dma_semaphore, #tpu.memory_space<semaphore_mem>>) src(%dma_wait3A_147 : memref<500x16xf32, #tpu.memory_space<vmem>>) dst(%dma_wait3A_143 : memref<500x16xf32, #tpu.memory_space<hbm>>)
      } else {
      }
      %parallel_loop3A = arith.constant 0 : i32
      %parallel_loop3A_110 = arith.constant 500 : i32
      %parallel_loop3A_111 = arith.constant 1 : i32
      scf.for %parallel_loop3A_130 = %parallel_loop3A to %parallel_loop3A_110 step %parallel_loop3A_111  : i32 {
        %parallel_loop3A_131 = arith.index_cast %select_n3A_83 : i32 to index
        %parallel_loop3A_132 = arith.index_cast %parallel_loop3A_130 : i32 to index
        %parallel_loop3A_133 = arith.constant 0 : index
        %parallel_loop3A_134 = tpu.vector_load %arg6[%parallel_loop3A_131, %parallel_loop3A_132, %parallel_loop3A_133] {strides = array<i32>} : memref<2x500x16xf32, #tpu.memory_space<vmem>>, vector<16xf32>,
        %parallel_loop3A_135 = arith.mulf %parallel_loop3A_134, %get3A_1 : vector<16xf32>
        %parallel_loop3A_136 = math.exp %parallel_loop3A_135 : vector<16xf32>
        %parallel_loop3A_137 = arith.constant 0 : i32
        %parallel_loop3A_138 = vector.broadcast %parallel_loop3A_137 : i32 to vector<16xi32>
        %parallel_loop3A_139 = arith.cmpi slt, %xor3A_3, %parallel_loop3A_138 : vector<16xi32>
        %parallel_loop3A_140 = arith.constant 16 : i32
        %parallel_loop3A_141 = vector.broadcast %parallel_loop3A_140 : i32 to vector<16xi32>
        %parallel_loop3A_142 = arith.addi %xor3A_3, %parallel_loop3A_141 : vector<16xi32>
        %parallel_loop3A_143 = arith.select %parallel_loop3A_139, %parallel_loop3A_142, %xor3A_3 : vector<16xi1>, vector<16xi32>
        %parallel_loop3A_144 = vector.shape_cast %parallel_loop3A_143 : vector<16xi32> to vector<16x1xi32>
        %parallel_loop3A_145 = vector.shape_cast %parallel_loop3A_144 : vector<16x1xi32> to vector<16xi32>
        %parallel_loop3A_146 = tpu.dynamic_gather %parallel_loop3A_136[%parallel_loop3A_145] in [0] : vector<16xf32>, vector<16xi32> -> vector<16xf32>
        %parallel_loop3A_147 = arith.addf %parallel_loop3A_136, %parallel_loop3A_146 : vector<16xf32>
        %parallel_loop3A_148 = arith.constant 0 : i32
        %parallel_loop3A_149 = vector.broadcast %parallel_loop3A_148 : i32 to vector<16xi32>
        %parallel_loop3A_150 = arith.cmpi slt, %xor3A_6, %parallel_loop3A_149 : vector<16xi32>
        %parallel_loop3A_151 = arith.constant 16 : i32
        %parallel_loop3A_152 = vector.broadcast %parallel_loop3A_151 : i32 to vector<16xi32>
        %parallel_loop3A_153 = arith.addi %xor3A_6, %parallel_loop3A_152 : vector<16xi32>
        %parallel_loop3A_154 = arith.select %parallel_loop3A_150, %parallel_loop3A_153, %xor3A_6 : vector<16xi1>, vector<16xi32>
        %parallel_loop3A_155 = vector.shape_cast %parallel_loop3A_154 : vector<16xi32> to vector<16x1xi32>
        %parallel_loop3A_156 = vector.shape_cast %parallel_loop3A_155 : vector<16x1xi32> to vector<16xi32>
        %parallel_loop3A_157 = tpu.dynamic_gather %parallel_loop3A_147[%parallel_loop3A_156] in [0] : vector<16xf32>, vector<16xi32> -> vector<16xf32>
        %parallel_loop3A_158 = arith.addf %parallel_loop3A_147, %parallel_loop3A_157 : vector<16xf32>
        %parallel_loop3A_159 = arith.constant 0 : i32
        %parallel_loop3A_160 = vector.broadcast %parallel_loop3A_159 : i32 to vector<16xi32>
        %parallel_loop3A_161 = arith.cmpi slt, %xor3A_9, %parallel_loop3A_160 : vector<16xi32>
        %parallel_loop3A_162 = arith.constant 16 : i32
        %parallel_loop3A_163 = vector.broadcast %parallel_loop3A_162 : i32 to vector<16xi32>
        %parallel_loop3A_164 = arith.addi %xor3A_9, %parallel_loop3A_163 : vector<16xi32>
        %parallel_loop3A_165 = arith.select %parallel_loop3A_161, %parallel_loop3A_164, %xor3A_9 : vector<16xi1>, vector<16xi32>
        %parallel_loop3A_166 = vector.shape_cast %parallel_loop3A_165 : vector<16xi32> to vector<16x1xi32>
        %parallel_loop3A_167 = vector.shape_cast %parallel_loop3A_166 : vector<16x1xi32> to vector<16xi32>
        %parallel_loop3A_168 = tpu.dynamic_gather %parallel_loop3A_158[%parallel_loop3A_167] in [0] : vector<16xf32>, vector<16xi32> -> vector<16xf32>
        %parallel_loop3A_169 = arith.addf %parallel_loop3A_158, %parallel_loop3A_168 : vector<16xf32>
        %parallel_loop3A_170 = arith.constant 0 : i32
        %parallel_loop3A_171 = vector.broadcast %parallel_loop3A_170 : i32 to vector<16xi32>
        %parallel_loop3A_172 = arith.cmpi slt, %xor3A_12, %parallel_loop3A_171 : vector<16xi32>
        %parallel_loop3A_173 = arith.constant 16 : i32
        %parallel_loop3A_174 = vector.broadcast %parallel_loop3A_173 : i32 to vector<16xi32>
        %parallel_loop3A_175 = arith.addi %xor3A_12, %parallel_loop3A_174 : vector<16xi32>
        %parallel_loop3A_176 = arith.select %parallel_loop3A_172, %parallel_loop3A_175, %xor3A_12 : vector<16xi1>, vector<16xi32>
        %parallel_loop3A_177 = vector.shape_cast %parallel_loop3A_176 : vector<16xi32> to vector<16x1xi32>
        %parallel_loop3A_178 = vector.shape_cast %parallel_loop3A_177 : vector<16x1xi32> to vector<16xi32>
        %parallel_loop3A_179 = tpu.dynamic_gather %parallel_loop3A_169[%parallel_loop3A_178] in [0] : vector<16xf32>, vector<16xi32> -> vector<16xf32>
        %parallel_loop3A_180 = arith.addf %parallel_loop3A_169, %parallel_loop3A_179 : vector<16xf32>
        %parallel_loop3A_181 = arith.divf %parallel_loop3A_136, %parallel_loop3A_180 : vector<16xf32>
        %parallel_loop3A_182 = arith.index_cast %select_n3A_83 : i32 to index
        %parallel_loop3A_183 = arith.index_cast %parallel_loop3A_130 : i32 to index
        %parallel_loop3A_184 = arith.constant 0 : index
        %parallel_loop3A_185 = tpu.vector_load %arg7[%parallel_loop3A_182, %parallel_loop3A_183, %parallel_loop3A_184] {strides = array<i32>} : memref<2x500x16xf32, #tpu.memory_space<vmem>>, vector<16xf32>,
        tpu.vector_store %arg7[%parallel_loop3A_182, %parallel_loop3A_183, %parallel_loop3A_184], %parallel_loop3A_181 {strides = array<i32>} : memref<2x500x16xf32, #tpu.memory_space<vmem>>, vector<16xf32>,
      } {sc.loop_unroll_factor = 8 : i64, sc.parallel_access}
      %mul3A_112 = arith.constant 500 : i32
      %mul3A_113 = arith.muli %scan3A_73, %mul3A_112 : i32
      %add3A_114 = arith.addi %mul3A_14, %mul3A_113 : i32
      %dma_start3A_115 = arith.constant 0 : i32
      %dma_start3A_116 = arith.constant 0 : i32
      %dma_start3A_117 = tpu.memref_slice %arg7[%select_n3A_83, %dma_start3A_115, %dma_start3A_116] : memref<2x500x16xf32, #tpu.memory_space<vmem>> -> memref<1x500x16xf32, #tpu.memory_space<vmem>>
      %dma_start3A_118 = tpu.memref_squeeze %dma_start3A_117 : memref<1x500x16xf32, #tpu.memory_space<vmem>> -> memref<500x16xf32, #tpu.memory_space<vmem>>
      %dma_start3A_119 = arith.constant 0 : i32
      %dma_start3A_120 = tpu.memref_slice %arg4[%add3A_114, %dma_start3A_119] : memref<320000x16xf32, #tpu.memory_space<hbm>> -> memref<500x16xf32, #tpu.memory_space<hbm>>
      %dma_start3A_121 = tpu.memref_slice %arg9[%select_n3A_83] : memref<2x!tpu.dma_semaphore, #tpu.memory_space<semaphore_mem>> -> memref<1x!tpu.dma_semaphore, #tpu.memory_space<semaphore_mem>>
      %dma_start3A_122 = tpu.memref_squeeze %dma_start3A_121 : memref<1x!tpu.dma_semaphore, #tpu.memory_space<semaphore_mem>> -> memref<!tpu.dma_semaphore, #tpu.memory_space<semaphore_mem>>
      %dma_start3A_123 = arith.constant 0 : i32
      %dma_start3A_124 = tpu.memref_slice %arg4[%add3A_114, %dma_start3A_123] : memref<320000x16xf32, #tpu.memory_space<hbm>> -> memref<500x16xf32, #tpu.memory_space<hbm>>
      %dma_start3A_125 = arith.constant 0 : i32
      %dma_start3A_126 = arith.constant 0 : i32
      %dma_start3A_127 = tpu.memref_slice %arg7[%select_n3A_83, %dma_start3A_125, %dma_start3A_126] : memref<2x500x16xf32, #tpu.memory_space<vmem>> -> memref<1x500x16xf32, #tpu.memory_space<vmem>>
      %dma_start3A_128 = tpu.memref_squeeze %dma_start3A_127 : memref<1x500x16xf32, #tpu.memory_space<vmem>> -> memref<500x16xf32, #tpu.memory_space<vmem>>
      tpu.enqueue_dma source(%dma_start3A_128 : memref<500x16xf32, #tpu.memory_space<vmem>>) target(%dma_start3A_124 : memref<500x16xf32, #tpu.memory_space<hbm>>) target_semaphore(%dma_start3A_122 : memref<!tpu.dma_semaphore, #tpu.memory_space<semaphore_mem>>)
      %scan3A_129 = arith.constant 0 : i32
      scf.yield %scan3A_129 : i32
    }
    %scan3A_37 = arith.constant 20 : i32
    %add3A_38 = arith.constant 9000 : i32
    %add3A_39 = arith.addi %mul3A_14, %add3A_38 : i32
    %dma_wait3A = arith.constant 0 : i32
    %dma_wait3A_40 = arith.constant 0 : i32
    %dma_wait3A_41 = arith.constant 0 : i32
    %dma_wait3A_42 = arith.constant 0 : i32
    %dma_wait3A_43 = tpu.memref_slice %arg7[%dma_wait3A, %dma_wait3A_41, %dma_wait3A_42] : memref<2x500x16xf32, #tpu.memory_space<vmem>> -> memref<1x500x16xf32, #tpu.memory_space<vmem>>
    %dma_wait3A_44 = tpu.memref_squeeze %dma_wait3A_43 : memref<1x500x16xf32, #tpu.memory_space<vmem>> -> memref<500x16xf32, #tpu.memory_space<vmem>>
    %dma_wait3A_45 = arith.constant 0 : i32
    %dma_wait3A_46 = tpu.memref_slice %arg4[%add3A_39, %dma_wait3A_45] : memref<320000x16xf32, #tpu.memory_space<hbm>> -> memref<500x16xf32, #tpu.memory_space<hbm>>
    %dma_wait3A_47 = tpu.memref_slice %arg9[%dma_wait3A_40] : memref<2x!tpu.dma_semaphore, #tpu.memory_space<semaphore_mem>> -> memref<1x!tpu.dma_semaphore, #tpu.memory_space<semaphore_mem>>
    %dma_wait3A_48 = tpu.memref_squeeze %dma_wait3A_47 : memref<1x!tpu.dma_semaphore, #tpu.memory_space<semaphore_mem>> -> memref<!tpu.dma_semaphore, #tpu.memory_space<semaphore_mem>>
    %dma_wait3A_49 = arith.constant 0 : i32
    %dma_wait3A_50 = tpu.memref_slice %arg4[%add3A_39, %dma_wait3A_49] : memref<320000x16xf32, #tpu.memory_space<hbm>> -> memref<500x16xf32, #tpu.memory_space<hbm>>
    %dma_wait3A_51 = arith.constant 0 : i32
    %dma_wait3A_52 = arith.constant 0 : i32
    %dma_wait3A_53 = tpu.memref_slice %arg7[%dma_wait3A, %dma_wait3A_51, %dma_wait3A_52] : memref<2x500x16xf32, #tpu.memory_space<vmem>> -> memref<1x500x16xf32, #tpu.memory_space<vmem>>
    %dma_wait3A_54 = tpu.memref_squeeze %dma_wait3A_53 : memref<1x500x16xf32, #tpu.memory_space<vmem>> -> memref<500x16xf32, #tpu.memory_space<vmem>>
    tpu.wait_dma2 semaphore(%dma_wait3A_48 : memref<!tpu.dma_semaphore, #tpu.memory_space<semaphore_mem>>) src(%dma_wait3A_54 : memref<500x16xf32, #tpu.memory_space<vmem>>) dst(%dma_wait3A_50 : memref<500x16xf32, #tpu.memory_space<hbm>>)
    %add3A_55 = arith.constant 9500 : i32
    %add3A_56 = arith.addi %mul3A_14, %add3A_55 : i32
    %dma_wait3A_57 = arith.constant 1 : i32
    %dma_wait3A_58 = arith.constant 1 : i32
    %dma_wait3A_59 = arith.constant 0 : i32
    %dma_wait3A_60 = arith.constant 0 : i32
    %dma_wait3A_61 = tpu.memref_slice %arg7[%dma_wait3A_57, %dma_wait3A_59, %dma_wait3A_60] : memref<2x500x16xf32, #tpu.memory_space<vmem>> -> memref<1x500x16xf32, #tpu.memory_space<vmem>>
    %dma_wait3A_62 = tpu.memref_squeeze %dma_wait3A_61 : memref<1x500x16xf32, #tpu.memory_space<vmem>> -> memref<500x16xf32, #tpu.memory_space<vmem>>
    %dma_wait3A_63 = arith.constant 0 : i32
    %dma_wait3A_64 = tpu.memref_slice %arg4[%add3A_56, %dma_wait3A_63] : memref<320000x16xf32, #tpu.memory_space<hbm>> -> memref<500x16xf32, #tpu.memory_space<hbm>>
    %dma_wait3A_65 = tpu.memref_slice %arg9[%dma_wait3A_58] : memref<2x!tpu.dma_semaphore, #tpu.memory_space<semaphore_mem>> -> memref<1x!tpu.dma_semaphore, #tpu.memory_space<semaphore_mem>>
    %dma_wait3A_66 = tpu.memref_squeeze %dma_wait3A_65 : memref<1x!tpu.dma_semaphore, #tpu.memory_space<semaphore_mem>> -> memref<!tpu.dma_semaphore, #tpu.memory_space<semaphore_mem>>
    %dma_wait3A_67 = arith.constant 0 : i32
    %dma_wait3A_68 = tpu.memref_slice %arg4[%add3A_56, %dma_wait3A_67] : memref<320000x16xf32, #tpu.memory_space<hbm>> -> memref<500x16xf32, #tpu.memory_space<hbm>>
    %dma_wait3A_69 = arith.constant 0 : i32
    %dma_wait3A_70 = arith.constant 0 : i32
    %dma_wait3A_71 = tpu.memref_slice %arg7[%dma_wait3A_57, %dma_wait3A_69, %dma_wait3A_70] : memref<2x500x16xf32, #tpu.memory_space<vmem>> -> memref<1x500x16xf32, #tpu.memory_space<vmem>>
    %dma_wait3A_72 = tpu.memref_squeeze %dma_wait3A_71 : memref<1x500x16xf32, #tpu.memory_space<vmem>> -> memref<500x16xf32, #tpu.memory_space<vmem>>
    tpu.wait_dma2 semaphore(%dma_wait3A_66 : memref<!tpu.dma_semaphore, #tpu.memory_space<semaphore_mem>>) src(%dma_wait3A_72 : memref<500x16xf32, #tpu.memory_space<vmem>>) dst(%dma_wait3A_68 : memref<500x16xf32, #tpu.memory_space<hbm>>)
    return
  }
}

</mosaic_0001>

<sc_bundles>
// kernel: kernel.4.cloned.1.call-start
scs
__scs_entry_jumppad:
0x0: {  	(pc) =	sbr.rel $0x88, $3  }
0x1: {  	(tag) =	ssettag $0x0;
	lr =	simm.s32 $0x1  }
0x2: {  	[smem:$0x3F9E] =	sst lr;
	_ =	strace $0xD0000000  }
0x3: {  	_ = 	snop  }
0x4: {  	_ = 	snop  }
0x5: {  	_ = 	snop  }
0x6: {  	_ = 	snop  }
0x7: {  	_ = 	snop  }
__scs_overlays_trampoline_lowered:
0x8: {  	[smem:$0x3FAD] =	sst s0  }
0x9: {  	[smem:$0x3FAE] =	sst s1  }
0xa: {  	[smem:$0x3FAF] =	sst s2  }
0xb: {  	[smem:$0x3FB0] =	sst s3  }
0xc: {  	[smem:$0x3FB1] =	sst s4  }
0xd: {  	[smem:$0x3FB2] =	sst s5  }
0xe: {  	[smem:$0x3FB3] =	sst s6  }
0xf: {  	[smem:$0x3FB4] =	sst s7  }
0x10: {  	[smem:$0x3FB5] =	sst s8  }
0x11: {  	[smem:$0x3FB6] =	sst s9;
	s0 =	simm.s32 @!p0 $0x0  }
0x12: {  	s1 =	sld [smem:$0x3F9C];
	s0 =	simm.s32 @p0 $0x1  }
0x13: {  	[smem:$0x3FB7] =	sst s0;
	s0 =	simm.s32 @!p1 $0x0  }
0x14: {  	s2 =	sld [smem:$0x3F9B];
	s0 =	simm.s32 @p1 $0x1  }
0x15: {  	[smem:$0x3FB8] =	sst s0;
	s0 =	simm.s32 @!p2 $0x0  }
0x16: {  	s3 =	sld [smem:$0x3FDB];
	s0 =	simm.s32 @p2 $0x1  }
0x17: {  	s4 =	simm.s32 $0x1BF5;
	[smem:$0x3FBA] =	sst s0  }
0x18: {  	s0 =	sld [smem:$0x3F9D];
	_ =	swait.ge [sflag:s4], $0x0  }
0x19: {  	s7 =	sld [smem:$0x3F9E]  }
0x1a: {  	s8 =	sadd.s32 $0xFFFFE003, lr  }
0x1b: {  	s9 =	sadd.s32 $0xFFFFFEF7, lr;
	s5 =	simm.s32 $0xFFFFFFFF;
	p2 =	slt.u32 s8, $0xFFFFF086  }
0x1c: {  	p1 =	slt.u32 s9, $0xF7A;
	s5 =	simm.s32 @!p2 $0x0  }
0x1d: {  	s5 =	simm.s32 @p1 $0x1;
	p0 =	seq.s32 s7, s2  }
0x1e: {  	s7 =	smul.u32 @!p0 $0xF7A, s2;
	p2 =	seq.s32 @!p0 s5, $0x0  }
0x1f: {  	s9 =	smul.u32 $0xF7A, s1;
	s8 =	simm.s32 @!p0 $0x1BF5;
	p2 =	por !p2, p0  }
0x20: {  	[sflag:s8] =	ssyncset.s32 @!p0 $0xFFFFF086;
	s6 =	sadd.s32 @!p0 s3, s7;
	s7 =	simm.s32 @!p0 $0x108  }
0x21: {  	s3 =	sadd.s32 s3, s9;
	s6 =	sadd.s32 @!p0 $0x88, s6;
	s7 =	simm.s32 @p2 $0x1082  }
0x22: {  	[simem:s7], [sflag:s8] =	dma.local @!p0 [hbm:s6], $0xF7A  }
0x23: {  	s9 =	sor.u32 $0xD0000000, s2;
	s6 =	simm.s32 $0x108;
	_ =	swait.ge @!p0 [sflag:s8], $0x0  }
0x24: {  	s3 =	sadd.s32 $0x88, s3;
	s6 =	simm.s32 @!p1 $0x1082;
	[sflag:s4] =	ssyncset.s32 $0xFFFFF086  }
0x25: {  	[simem:s6], [sflag:s4] =	dma.local [hbm:s3], $0xF7A  }
0x26: {  	[smem:$0x3F9E] =	sst s1;
	(tag) =	ssettag s2;
	_ =	strace s9  }
0x27: {  	s1 =	sld [smem:$0x3FAE]  }
0x28: {  	s2 =	sld [smem:$0x3FAF]  }
0x29: {  	s4 =	sld [smem:$0x3FB1]  }
0x2a: {  	p0 =	seq.s32 s5, $0x0;
	s5 =	sld [smem:$0x3FB2]  }
0x2b: {  	s6 =	sld [smem:$0x3FB3]  }
0x2c: {  	s7 =	sld [smem:$0x3FB4]  }
0x2d: {  	s3 =	simm.s32 $0x108;
	s8 =	sld [smem:$0x3FB5]  }
0x2e: {  	s3 =	simm.s32 @!p0 $0x1082;
	s9 =	sld [smem:$0x3FB6]  }
0x2f: {  	lr =	sadd.s32 s0, s3;
	s0 =	sld [smem:$0x3FAD]  }
0x30: {  	s3 =	sld [smem:$0x3FB0]  }
0x31: {  	[smem:$0x3FB9] =	sst s10  }
0x32: {  	s10 =	sld [smem:$0x3FB7];
	_ =	sdelay $0x3  }
0x33: {  	p0 =	seq.s32 s10, $0x1;
	s10 =	sld [smem:$0x3FB9];
	_ =	sdelay $0x3  }
0x34: {  	[smem:$0x3FB9] =	sst s10  }
0x35: {  	s10 =	sld [smem:$0x3FB8];
	_ =	sdelay $0x3  }
0x36: {  	p1 =	seq.s32 s10, $0x1;
	s10 =	sld [smem:$0x3FB9];
	_ =	sdelay $0x3  }
0x37: {  	[smem:$0x3FB9] =	sst s10  }
0x38: {  	s10 =	sld [smem:$0x3FBA]  }
0x39: {  	_ = 	snop;
	(pc) =	sbr.ind lr, $3  }
0x3a: {  	_ = 	snop  }
0x3b: {  	_ = 	snop  }
0x3c: {  	p2 =	seq.s32 s10, $0x1;
	s10 =	sld [smem:$0x3FB9]  }
0x3d: {  	_ =	shalt  }
0x3e: {  	_ =	shalt  }
0x3f: {  	_ =	shalt  }
0x40: {  	_ =	shalt  }
0x41: {  	_ =	shalt  }
0x42: {  	_ =	shalt  }
0x43: {  	_ =	shalt  }
0x44: {  	_ =	shalt  }
0x45: {  	_ =	shalt  }
0x46: {  	_ =	shalt  }
0x47: {  	_ =	shalt  }
0x48: {  	_ =	shalt  }
0x49: {  	_ =	shalt  }
0x4a: {  	_ =	shalt  }
0x4b: {  	_ =	shalt  }
0x4c: {  	_ =	shalt  }
0x4d: {  	_ =	shalt  }
0x4e: {  	_ =	shalt  }
0x4f: {  	_ =	shalt  }
0x50: {  	_ =	shalt  }
0x51: {  	_ =	shalt  }
0x52: {  	_ =	shalt  }
0x53: {  	_ =	shalt  }
0x54: {  	_ =	shalt  }
0x55: {  	_ =	shalt  }
0x56: {  	_ =	shalt  }
0x57: {  	_ =	shalt  }
0x58: {  	_ =	shalt  }
0x59: {  	_ =	shalt  }
0x5a: {  	_ =	shalt  }
0x5b: {  	_ =	shalt  }
0x5c: {  	_ =	shalt  }
0x5d: {  	_ =	shalt  }
0x5e: {  	_ =	shalt  }
0x5f: {  	_ =	shalt  }
0x60: {  	_ =	shalt  }
0x61: {  	_ =	shalt  }
0x62: {  	_ =	shalt  }
0x63: {  	_ =	shalt  }
0x64: {  	_ =	shalt  }
0x65: {  	_ =	shalt  }
0x66: {  	_ =	shalt  }
0x67: {  	_ =	shalt  }
0x68: {  	_ =	shalt  }
0x69: {  	_ =	shalt  }
0x6a: {  	_ =	shalt  }
0x6b: {  	_ =	shalt  }
0x6c: {  	_ =	shalt  }
0x6d: {  	_ =	shalt  }
0x6e: {  	_ =	shalt  }
0x6f: {  	_ =	shalt  }
0x70: {  	_ =	shalt  }
0x71: {  	_ =	shalt  }
0x72: {  	_ =	shalt  }
0x73: {  	_ =	shalt  }
0x74: {  	_ =	shalt  }
0x75: {  	_ =	shalt  }
0x76: {  	_ =	shalt  }
0x77: {  	_ =	shalt  }
0x78: {  	_ =	shalt  }
0x79: {  	_ =	shalt  }
0x7a: {  	_ =	shalt  }
0x7b: {  	_ =	shalt  }
0x7c: {  	_ =	shalt  }
0x7d: {  	_ =	shalt  }
0x7e: {  	_ =	shalt  }
0x7f: {  	_ =	shalt  }
0x80: {  	_ =	shalt  }
0x81: {  	_ =	shalt  }
0x82: {  	_ =	shalt  }
0x83: {  	_ =	shalt  }
0x84: {  	_ =	shalt  }
0x85: {  	_ =	shalt  }
0x86: {  	_ =	shalt  }
0x87: {  	_ =	shalt  }
.Lfunc_end0:
.L_simem_size_0:
called_computation_lowered:
.L_overlay_start_0:
0x88: {  	s2 =	sld [smem:$0x3FD9]  }
0x89: {  	s3 =	sld [smem:$0x3FFE];
	_ =	sdelay $0x1  }
0x8a: {  	s1 =	srdreg.scid  }
0x8b: {  	s0 =	sand.u32 $0x1, s1  }
0x8c: {  	s14 =	sshll.u32 s0, $0xA;
	s2 =	sadd.s32 s3, s2  }
0x8d: {  	s2 =	sadd.s32 s2, s14  }
0x8e: {  	[smem:$0x3FC5] =	sst s2  }
0x8f: {  	_ = 	snop  }
0x90: {  	s2 =	sld [smem:$0x3FD0];
	_ =	sdelay $0x2  }
0x91: {  	s15 =	simm.s32 $0xB;
	s4 =	simm.s32 $0x10  }
0x92: {  	[smem:s4], [sflag:s15] =	dma.local [hbm:s2], $0x1  }
0x93: {  	_ =	swait.eq [sflag:s15], $0x1  }
0x94: {  	[sflag:s15] =	ssyncset.done $0x0  }
0x95: {  	s16 =	sld [smem:$0x10];
	[sflag:s15] =	ssyncadd.s32 $0xFFFFFFFF  }
0x96: {  	s17 =	sld [smem:$0x11];
	(tm) =	ssettm $0x1  }
0x97: {  	s18 =	sld [smem:$0x3FFB];
	_ =	sdelay $0x3  }
0x98: {  	_ =	strace s18  }
0x99: {  	s4 =	sld [smem:$0x3FFC];
	_ =	sdelay $0x3  }
0x9a: {  	_ =	strace s4  }
0x9b: {  	s4 =	sld [smem:$0x3FFD];
	_ =	sdelay $0x3  }
0x9c: {  	_ =	strace s4  }
0x9d: {  	_ =	strace $0x8FFFFFFF  }
0x9e: {  	s19 =	sld [smem:$0x3FDB];
	_ =	sdelay $0x1  }
0x9f: {  	s5 =	simm.s32 $_scs_section_size  }
0xa0: {  	s6 =	simm.s32 $_size__tile_overlayer_lowered;
	s7 =	simm.s32 $_tile_overlayer_lowered  }
0xa1: {  	s22 =	simm.s32 $0x1BFF;
	s21 =	sshll.u32 s7, $0x1;
	s4 =	sadd.s32 s5, s19  }
0xa2: {  	s8 =	simm.s32 $0x0;
	s20 =	sshll.u32 s6, $0x1;
	s6 =	sadd.s32 s21, s4  }
0xa3: {  	[timem:s8], [sflag:s22] =	dma.local [hbm:s6], s20  }
0xa4: {  	_ =	swait.ge [sflag:s22], s20  }
0xa5: {  	s5 =	ssub.s32 $0x0, s20;
	[sflag:s22] =	ssyncset.done $0x0  }
0xa6: {  	[sflag:s22] =	ssyncadd.s32 s5;
	_ =	sdelay $0x1  }
0xa7: {  	s23 =	simm.s32 $0x1B8B  }
0xa8: {  	_ =	swait.ge [sflag:s23], $0x1  }
0xa9: {  	[sflag:s23] =	ssyncset.done $0x0  }
0xaa: {  	s25 =	simm.s32 $0x1B8E;
	s24 =	sld [smem:$0x3FFE];
	[sflag:s23] =	ssyncadd.s32 $0xFFFFFFFF  }
0xab: {  	s26 =	simm.s32 $execute0_lowered;
	[smem:$0x3FD2] =	sst s25  }
0xac: {  	s6 =	sshll.u32 s26, $0x1;
	_ =	strace $0x80000046;
	[dreg:$0x1] =	wrdreg $0xFFFFFFFF  }
0xad: {  	s28 =	simm.s32 $_size_execute0_lowered;
	s4 =	sadd.s32 s4, s6;
	[dreg:$0x0] =	wrdreg $0x0  }
0xae: {  	s6 =	sshll.u32 s28, $0x1;
	[dreg:$0x2] =	wrdreg s4  }
0xaf: {  	[dreg:$0x3] =	wrdreg s6  }
0xb0: {  	[dreg:$0x4] =	wrdreg $0xC0  }
0xb1: {  	_ =	task [dreg:s8], $0x5FFFF  }
0xb2: {  	[dreg:$0x1] =	wrdreg $0xFFFFFFFF  }
0xb3: {  	[dreg:$0x0] =	wrdreg $0x60  }
0xb4: {  	[dreg:$0x2] =	wrdreg s24  }
0xb5: {  	[dreg:$0x3] =	wrdreg s17  }
0xb6: {  	[dreg:$0x4] =	wrdreg s16  }
0xb7: {  	[dreg:$0x5] =	wrdreg $0x9  }
0xb8: {  	_ =	task.clear_ibuf [dreg:s8], $0x6FFFF;
	_ =	strace $0x90000046  }
0xb9: {  	s29 =	simm.s32 $0x9;
	_ =	strace $0x80000048  }
0xba: {  	_ =	swait.ge [sflag:s29], $0x1  }
0xbb: {  	[sflag:s29] =	ssyncadd.s32 $0xFFFFFFFF  }
0xbc: {  	_ =	strace $0x90000048  }
0xbd: {  	_ =	sfence  }
0xbe: {  	s30 =	sld [smem:$0x0];
	_ =	sdelay $0x2  }
0xbf: {  	s31 =	sshll.u32 s1, $0xD;
	s1 =	sshrl.u32 s1, $0x2  }
0xc0: {  	s3 =	sand.u32 $0x4000, s31;
	s1 =	sadd.s32 s1, s30  }
0xc1: {  	s0 =	sor.u32 s3, s0;
	s1 =	sshll.u32 s1, $0x11  }
0xc2: {  	s0 =	sor.u32 s1, s0  }
0xc3: {  	s0 =	sadd.s32 $0x8F2B, s0  }
0xc4: {  	[sflag:s0] =	ssyncadd.remote.s32 $0x1  }
0xc5: {  	_ =	sfence.sel $0xFFFF  }
0xc6: {  	[dreg:$0x0] =	wrdreg $0xFFFFFFFF;
	(pc) =	sbr.abs _section_cstart, $3  }
0xc7: {  	[dreg:$0x1] =	wrdreg $0xFFFFFFFF  }
0xc8: {  	_ =	task.clear_ibuf [dreg:s8], $0x2FFFF;
	_ =	strace $0x9FFFFFFF  }
0xc9: {  	(tm) =	ssettm $0x7FFFFFFF  }
tec
execute0_lowered:
.L_overlay_start_1:
0x0: {  	(tag) =	ssettag $0x1  }
0x1: {  	v0 =	vimm.s32 $0xEFCDAB89;
	v1 =	vimm.s32 $0x67452301  }
0x2: {  	v2 =	vimm.s32 $0xDCFE98BA;
	v3 =	vimm.s32 $0x54761032;
	v4 =	vimm.s32 $0xBA98FEDC  }
0x3: {  	s5 =	rddreg [dreg:$0x0];
	v5 =	vimm.s32 $0x32107654;
	v6 =	vimm.s32 $0xFEDCBA98;
	v7 =	vimm.s32 $0x76543210  }
0x4: {  	s0 =	rddreg [dreg:$0x1];
	v0 =	vunpack.c.l.s4.s8 v0;
	v1 =	vunpack.c.l.s4.s8 v1;
	v2 =	vunpack.c.l.s4.s8 v2  }
0x5: {  	s2 =	srdreg.scid;
	s1 =	stileid.u32;
	v3 =	vunpack.c.l.s4.s8 v3;
	v4 =	vunpack.c.l.s4.s8 v4;
	v5 =	vunpack.c.l.s4.s8 v5  }
0x6: {  	s3 =	rddreg [dreg:$0x2];
	s4 =	simm.s32 $0x0;
	s10 =	simm.s32 $0x10;
	v6 =	vunpack.c.l.s4.s8 v6;
	v7 =	vunpack.c.l.s4.s8 v7;
	v0 =	vunpack.c.0.s8.s32 v0  }
0x7: {  	s11 =	simm.s32 $0x3;
	s12 =	simm.s32 $0x4;
	s13 =	simm.s32 $0x0;
	v1 =	vunpack.c.0.s8.s32 v1;
	v2 =	vunpack.c.0.s8.s32 v2;
	v3 =	vunpack.c.0.s8.s32 v3  }
0x8: {  	s6 =	sand.u32 $0x1, s2;
	s7 =	sshll.u32 s1, $0x1;
	s2 =	rddreg [dreg:$0x3];
	v4 =	vunpack.c.0.s8.s32 v4;
	v5 =	vunpack.c.0.s8.s32 v5;
	v6 =	vunpack.c.0.s8.s32 v6  }
0x9: {  	[smem:$0x7FF] =	sst s4;
	s7 =	sor.u32 s6, s7;
	s6 =	ssub.s32 $0x2, s6;
	v7 =	vunpack.c.0.s8.s32 v7;
	v0 =	vcombine.low v1, v0  }
0xa: {  	s5 =	sadd.s32 $0x1C00, s5;
	s8 =	smul.u32 $0x4E20, s7;
	s9 =	sshrl.u32 s6, $0x1;
	v1 =	vcombine.low v3, v2;
	v2 =	vcombine.low v5, v4;
	v6 =	vand.u32 $0xF, v6  }
0xb: {  	_ =	strace $0x80000047;
	s9 =	ssub.s32 s6, s9;
	s6 =	smul.u32 $0x2710, s7;
	v6 =	vcombine.low v6, v7  }
0xc: {  	s7 =	sadd.s32 s0, s8;
	s8 =	smax.u32 s9, $0x1;
	s9 =	simm.s32 $0x5;
	v3 =	vand.u32 $0xF, v0;
	v4 =	vand.u32 $0xF, v1;
	v5 =	vand.u32 $0xF, v2  }
.LBB2_1:
0xd: {  	[tilespmem:s4], [sflag:$0x5] =	stream.linear.gather [hbm4b:s5+s4], $0x10, $0x38;
	[tilespmem:$0x7D10] =	vst v63  }
0xe: {  	_ =	swait.ge [sflag:s9], $0x10  }
0xf: {  	[sflag:s9] =	ssyncset.done $0x0  }
0x10: {  	p0 =	por $0x0, $0x0;
	s14 =	simm.s32 $0x0;
	[sflag:s9] =	ssyncadd.s32 $0xFFFFFFF0  }
0x11: {  	v7 =	vld [tilespmem:$0x0];
	[tilespmem:s10], [sflag:$0x1] =	stream.linear.gather [hbm4b:s7+s4], $0x1F40, $0x38  }
.LBB2_2:
0x12: {  	s16 =	smov.u32 s14  }
0x13: {  	s15 =	sand.u32 $0x1, s14;
	s14 =	sadd.s32 $0x1, s14;
	p1 =	seq.s32 s16, $0x13  }
0x14: {  	s18 =	smul.u32 @!p1 $0x1F4, s14  }
0x15: {  	s17 =	sxor.u32 @!p1 $0x1, s15  }
0x16: {  	s19 =	smul.u32 @!p1 $0x7D00, s17;
	s18 =	sadd.s32 @!p1 s6, s18  }
0x17: {  	s29 =	sadd.s32 $0x1, s15;
	s18 =	sshll.u32 @!p1 s18, $0x1  }
0x18: {  	s20 =	simm.s32 @!p1 $0x0;
	s19 =	sshrl.u32 @!p1 s19, $0x2;
	s18 =	sand.u32 @!p1 $0x1FFFFFF8, s18  }
0x19: {  	s17 =	sadd.s32 @!p1 $0x1, s17;
	s19 =	sor.u32 @!p1 $0x10, s19;
	s18 =	sadd.s32 @!p1 s0, s18  }
0x1a: {  	[tilespmem:s19], [sflag:s17] =	stream.linear.gather @!p1 [hbm4b:s18+s20], $0x1F40, $0x38;
	[tilespmem:$0x7D10] =	vst v63  }
0x1b: {  	s18 =	simm.s32 $0x1;
	_ =	swait.ge [sflag:s29], $0x1F40  }
0x1c: {  	p1 =	slt.u32 s16, $0x2;
	s18 =	simm.s32 @!p0 $0x0;
	[sflag:s29] =	ssyncset.done $0x0  }
0x1d: {  	s17 =	sadd.s32 @!p1 $0x3, s15;
	s18 =	smul.u32 $0x7D00, s18;
	[sflag:s29] =	ssyncadd.s32 $0xFFFFE0C0  }
0x1e: {  	_ =	swait.ge @!p1 [sflag:s17], $0x1F40  }
0x1f: {  	s18 =	sshrl.u32 s18, $0x2;
	[sflag:s17] =	ssyncset.done @!p1 $0x0  }
0x20: {  	s30 =	sadd.s32 $0x50, s18;
	[sflag:s17] =	ssyncadd.s32 @!p1 $0xFFFFE0C0  }
0x21: {  	v8 =	vld [tilespmem:s30+$0x30]  }
0x22: {  	v9 =	vld [tilespmem:s30+$0xFFFFFFF0]  }
0x23: {  	v10 =	vld [tilespmem:s30+$0x20];
	_ =	sdelay $0x2  }
0x24: {  	v11 =	vld [tilespmem:s30+$0x10];
	v8 =	vmul.f32 v8, v7  }
0x25: {  	v12 =	vld [tilespmem:s30+$0xFFFFFFC0];
	v9 =	vmul.f32 v9, v7  }
0x26: {  	v13 =	vld [tilespmem:s30+$0xFFFFFFE0];
	v10 =	vmul.f32 v10, v7;
	v8 =	vmul.f32 $1.442695020e+00, v8  }
0x27: {  	v9 =	vmul.f32 $1.442695020e+00, v9  }
0x28: {  	s31 =	sadd.s32 $0x80, s30;
	v14 =	vld [tilespmem:s30+$0x0];
	(erf) = vpow2.f32 v8;
	v8 =	vmul.f32 $1.442695020e+00, v10  }
0x29: {  	v16 =	vld [tilespmem:s31+$0x30];
	v10 =	vmul.f32 v11, v7;
	(erf) = vpow2.f32 v9  }
0x2a: {  	v19 =	vld [tilespmem:s31+$0xFFFFFFC0];
	v9 =	vmul.f32 v12, v7;
	(erf) = vpow2.f32 v8  }
0x2b: {  	v23 =	vld [tilespmem:s31+$0xFFFFFFF0];
	v8 =	vmul.f32 $1.442695020e+00, v10;
	v10 =	vmul.f32 v13, v7  }
0x2c: {  	v26 =	vld [tilespmem:s31+$0x20];
	v9 =	vmul.f32 $1.442695020e+00, v9  }
0x2d: {  	v29 =	vld [tilespmem:s31+$0x0];
	(erf) = vpow2.f32 v8;
	v8 =	vmul.f32 $1.442695020e+00, v10  }
0x2e: {  	v11 =	vmul.f32 v14, v7;
	(erf) = vpow2.f32 v9  }
0x2f: {  	v19 =	vmul.f32 v19, v7;
	(erf) = vpow2.f32 v8;
	v8 =	vld [tilespmem:s30+$0xFFFFFFD0]  }
0x30: {  	v16 =	vmul.f32 v16, v7;
	v10 =	vmul.f32 $1.442695020e+00, v11  }
0x31: {  	v23 =	vmul.f32 v23, v7;
	v26 =	vmul.f32 v26, v7  }
0x32: {  	v29 =	vmul.f32 v29, v7;
	(erf) = vpow2.f32 v10;
	v9 =	vpop (erf)  }
0x33: {  	v19 =	vmul.f32 $1.442695020e+00, v19;
	v15 =	vpop (erf);
	v13 =	vperm.xlane v9, v3  }
0x34: {  	v12 =	vpop (erf);
	v11 =	vmul.f32 v8, v7;
	v18 =	vperm.xlane v15, v3  }
0x35: {  	v16 =	vmul.f32 $1.442695020e+00, v16;
	v10 =	vperm.xlane v12, v3  }
0x36: {  	v23 =	vmul.f32 $1.442695020e+00, v23;
	v22 =	vadd.f32 v9, v13;
	v8 =	vpop (erf);
	v18 =	vadd.f32 v15, v18  }
0x37: {  	v30 =	vld [tilespmem:s31+$0x10];
	v17 =	vmul.f32 $1.442695020e+00, v11;
	v14 =	vadd.f32 v12, v10;
	v20 =	vperm.xlane v8, v3  }
0x38: {  	v28 =	vperm.xlane v22, v4;
	v11 =	vpop (erf);
	v27 =	vperm.xlane v18, v4  }
0x39: {  	v21 =	vperm.xlane v14, v4;
	v10 =	vpop (erf);
	v25 =	vperm.xlane v11, v3  }
0x3a: {  	(erf) = vpow2.f32 v17;
	v24 =	vperm.xlane v10, v3  }
0x3b: {  	v32 =	vld [tilespmem:s31+$0xFFFFFFE0];
	v13 =	vpop (erf);
	v18 =	vadd.f32 v18, v27;
	(erf) = vpow2.f32 v16;
	v16 =	vmul.f32 $1.442695020e+00, v26  }
0x3c: {  	v26 =	vmul.f32 v30, v7;
	v17 =	vperm.xlane v13, v3;
	v25 =	vadd.f32 v11, v25  }
0x3d: {  	(erf) = vpow2.f32 v23;
	v31 =	vperm.xlane v18, v5  }
0x3e: {  	v22 =	vadd.f32 v22, v28;
	(erf) = vpow2.f32 v16;
	v27 =	vperm.xlane v25, v4  }
0x3f: {  	v16 =	vadd.f32 v13, v17;
	v17 =	vmul.f32 $1.442695020e+00, v26;
	v26 =	vmul.f32 $1.442695020e+00, v29;
	v29 =	vld [tilespmem:s31+$0xFFFFFFD0]  }
0x40: {  	v28 =	vmul.f32 v32, v7;
	v23 =	vadd.f32 v25, v27;
	v25 =	vadd.f32 v18, v31  }
0x41: {  	v27 =	vadd.f32 v10, v24;
	v24 =	vperm.xlane v22, v5;
	(erf) = vpow2.f32 v17  }
0x42: {  	v17 =	vmul.f32 $1.442695020e+00, v28;
	(erf) = vpow2.f32 v19  }
0x43: {  	v14 =	vadd.f32 v14, v21;
	v21 =	vperm.xlane v23, v5;
	v28 =	vperm.xlane v25, v6  }
0x44: {  	v22 =	vadd.f32 v22, v24;
	v18 =	vpop (erf);
	(erf) = vpow2.f32 v17;
	v35 =	vmul.f32 v29, v7  }
0x45: {  	v30 =	vperm.xlane v18, v3;
	v24 =	vadd.f32 v23, v21;
	v21 =	vperm.xlane v14, v5  }
0x46: {  	v17 =	vpop (erf);
	v23 =	vadd.f32 v25, v28;
	v25 =	vperm.xlane v16, v4;
	v28 =	vperm.xlane v27, v4  }
0x47: {  	(erf) = vpow2.f32 v26;
	v19 =	vpop (erf);
	v35 =	vmul.f32 $1.442695020e+00, v35;
	v33 =	vadd.f32 v18, v30  }
0x48: {  	v31 =	vadd.f32 v14, v21;
	v14 =	vpop (erf);
	v21 =	vperm.xlane v22, v6;
	(erf) = vrcp.f32 v23  }
0x49: {  	v26 =	vadd.f32 v27, v28;
	v30 =	vadd.f32 v16, v25;
	v16 =	vperm.xlane v14, v3  }
0x4a: {  	v29 =	vadd.f32 v8, v20;
	v38 =	vperm.xlane v17, v3;
	v37 =	vperm.xlane v19, v3  }
0x4b: {  	s21 =	smul.u32 $0x1F4, s16;
	v36 =	vperm.xlane v33, v4;
	v25 =	vperm.xlane v26, v5;
	v27 =	vadd.f32 v22, v21  }
0x4c: {  	s16 =	sadd.s32 $0x5D90, s18;
	v34 =	vperm.xlane v31, v6;
	v32 =	vperm.xlane v30, v5;
	v23 =	vadd.f32 v14, v16;
	v21 =	vpop (erf)  }
0x4d: {  	s19 =	sadd.s32 $0x3ED0, s18;
	s17 =	sadd.s32 $0x1F10, s18;
	s18 =	sadd.s32 s6, s21;
	v28 =	vadd.f32 v26, v25;
	v36 =	vadd.f32 v33, v36;
	(erf) = vrcp.f32 v27;
	v16 =	vpop (erf)  }
0x4e: {  	s21 =	simm.s32 $0x8;
	s20 =	smov.u32 s19;
	s22 =	sadd.s32 $0x80, s31;
	v33 =	vadd.f32 v17, v38;
	v20 =	vperm.xlane v21, v3;
	v26 =	vperm.xlane v23, v4;
	v22 =	vpop (erf)  }
.LBB2_3:
0x4f: {  	v38 =	vld [tilespmem:s22+$0xFFFFFFF0];
	s21 =	sadd.s32 $0x8, s21;
	v39 =	vperm.xlane v22, v3;
	v40 =	vperm.xlane v28, v6;
	v31 =	vadd.f32 v31, v34;
	s19 =	sadd.s32 $0x80, s19;
	v27 =	vmovc v18  }
0x50: {  	v34 =	vperm.xlane v16, v3;
	v41 =	vperm.xlane v36, v5;
	v18 =	vld [tilespmem:s22+$0x30];
	p1 =	slt.u32 s21, $0x1E8;
	v37 =	vadd.f32 v19, v37;
	v25 =	vpop (erf)  }
0x51: {  	v42 =	vld [tilespmem:s22+$0xFFFFFFC0];
	(erf) = vpow2.f32 v35;
	v35 =	vperm.xlane v24, v6;
	v40 =	vadd.f32 v28, v40;
	v43 =	vpop (erf)  }
0x52: {  	v30 =	vadd.f32 v30, v32;
	v45 =	vperm.xlane v25, v3;
	v36 =	vadd.f32 v36, v41;
	v28 =	vmovc v8;
	v44 =	vld [tilespmem:s22+$0xFFFFFFD0]  }
0x53: {  	v34 =	vadd.f32 v16, v34;
	v41 =	vperm.xlane v37, v4;
	v43 =	vmul.f32 v43, v15;
	v15 =	vmovc v19;
	v32 =	vld [tilespmem:s22+$0x20]  }
0x54: {  	v46 =	vperm.xlane v33, v4;
	v8 =	vmovc v21;
	v24 =	vadd.f32 v24, v35;
	v35 =	vperm.xlane v30, v6;
	v19 =	vld [tilespmem:s22+$0xFFFFFFE0]  }
0x55: {  	v21 =	vmul.f32 v38, v7;
	v37 =	vadd.f32 v37, v41;
	v41 =	vperm.xlane v36, v6;
	v38 =	vld [tilespmem:s22+$0x0];
	[tilespmem:s20+$0xFFFFFFF0] =	vst v43  }
0x56: {  	v47 =	vmovc v10;
	v43 =	vperm.xlane v34, v4;
	v30 =	vadd.f32 v30, v35;
	v42 =	vmul.f32 v42, v7  }
0x57: {  	v33 =	vadd.f32 v33, v46;
	v46 =	vperm.xlane v29, v4;
	v48 =	vmul.f32 v18, v7;
	v35 =	vld [tilespmem:s22+$0x10];
	v10 =	vpop (erf)  }
0x58: {  	v36 =	vadd.f32 v36, v41;
	v42 =	vmul.f32 $1.442695020e+00, v42;
	v41 =	vmul.f32 v10, v9;
	v9 =	vmovc v17;
	v10 =	vmovc v22  }
0x59: {  	v17 =	vmul.f32 $1.442695020e+00, v48;
	v22 =	vadd.f32 v34, v43;
	v34 =	vperm.xlane v37, v5  }
0x5a: {  	v29 =	vadd.f32 v29, v46;
	v32 =	vmul.f32 v32, v7;
	v18 =	vpop (erf);
	[tilespmem:s20+$0x30] =	vst v41;
	(erf) = vrcp.f32 v24  }
0x5b: {  	v24 =	vmul.f32 v38, v7;
	v34 =	vadd.f32 v37, v34;
	(erf) = vrcp.f32 v31  }
0x5c: {  	v37 =	vperm.xlane v29, v5;
	v31 =	vmul.f32 v35, v7;
	v35 =	vadd.f32 v25, v45  }
0x5d: {  	v21 =	vmul.f32 $1.442695020e+00, v21;
	(erf) = vpow2.f32 v17  }
0x5e: {  	v29 =	vadd.f32 v29, v37;
	v17 =	vmul.f32 $1.442695020e+00, v31;
	(erf) = vrcp.f32 v30  }
0x5f: {  	v30 =	vmul.f32 $1.442695020e+00, v32;
	(erf) = vpow2.f32 v21;
	v21 =	vadd.f32 v10, v39  }
0x60: {  	v32 =	vmul.f32 $1.442695020e+00, v24;
	v24 =	vperm.xlane v29, v6  }
0x61: {  	v37 =	vperm.xlane v33, v5;
	(erf) = vpow2.f32 v30  }
0x62: {  	v23 =	vadd.f32 v23, v26;
	v19 =	vmul.f32 v19, v7;
	v24 =	vadd.f32 v29, v24  }
0x63: {  	v26 =	vperm.xlane v22, v5;
	v29 =	vpop (erf);
	(erf) = vrcp.f32 v36  }
0x64: {  	v31 =	vperm.xlane v18, v3;
	v33 =	vadd.f32 v33, v37;
	(erf) = vrcp.f32 v24;
	v30 =	vpop (erf)  }
0x65: {  	v36 =	vperm.xlane v34, v6;
	(erf) = vpow2.f32 v17  }
0x66: {  	v24 =	vadd.f32 v22, v26;
	v39 =	vmul.f32 v30, v12;
	v17 =	vpop (erf);
	(erf) = vrcp.f32 v40  }
0x67: {  	v37 =	vadd.f32 v18, v31;
	v22 =	vmul.f32 $1.442695020e+00, v19;
	(erf) = vpow2.f32 v42;
	v26 =	vpop (erf)  }
0x68: {  	v31 =	vperm.xlane v23, v5;
	v36 =	vadd.f32 v34, v36;
	v30 =	vperm.xlane v35, v4;
	v19 =	vpop (erf);
	[tilespmem:s20+$0x20] =	vst v39  }
0x69: {  	v38 =	vperm.xlane v37, v4;
	v12 =	vmov v14;
	(erf) = vpow2.f32 v22  }
0x6a: {  	v31 =	vadd.f32 v23, v31;
	v34 =	vperm.xlane v21, v4;
	v22 =	vmul.f32 v44, v7;
	v14 =	vpop (erf)  }
0x6b: {  	v23 =	vperm.xlane v33, v6;
	v29 =	vmul.f32 v29, v11;
	v11 =	vmov v16  }
0x6c: {  	v39 =	vadd.f32 v21, v34;
	v34 =	vperm.xlane v31, v6;
	(erf) = vpow2.f32 v32;
	v16 =	vpop (erf)  }
0x6d: {  	v30 =	vadd.f32 v35, v30;
	v35 =	vmul.f32 v26, v13;
	(erf) = vrcp.f32 v36;
	[tilespmem:s20+$0xFFFFFFC0] =	vst v29;
	v26 =	vpop (erf)  }
0x6e: {  	v41 =	vadd.f32 v33, v23;
	v40 =	vperm.xlane v39, v5;
	v36 =	vperm.xlane v14, v3;
	v21 =	vpop (erf)  }
.Ltmp0:
0x6f: {  	v32 =	vperm.xlane v30, v5;
	v29 =	vadd.f32 v8, v20;
	v20 =	vmul.f32 v16, v27;
	[tilespmem:s20+$0x0] =	vst v35;
	v13 =	vpop (erf);
	(pc) =	sbr.rel @p1 .LBB2_3-.Ltmp0, $4  }
0x70: {  	v27 =	vmul.f32 v26, v28;
	v35 =	vmul.f32 $1.442695020e+00, v22;
	v23 =	vadd.f32 v14, v36;
	v16 =	vpop (erf)  }
0x71: {  	v33 =	vperm.xlane v17, v3;
	v28 =	vadd.f32 v39, v40;
	v39 =	vmul.f32 v13, v47;
	[tilespmem:s20+$0xFFFFFFD0] =	vst v20  }
0x72: {  	v36 =	vadd.f32 v37, v38;
	v20 =	vperm.xlane v21, v3;
	v26 =	vperm.xlane v23, v4;
	v22 =	vpop (erf);
	[tilespmem:s20+$0x10] =	vst v27  }
0x73: {  	s22 =	sadd.s32 $0x80, s22;
	v33 =	vadd.f32 v17, v33;
	v37 =	vperm.xlane v19, v3;
	v13 =	vmovc v25;
	(erf) = vrcp.f32 v41;
	[tilespmem:s20+$0xFFFFFFE0] =	vst v39;
	s20 =	smov.u32 s19  }
0x74: {  	v25 =	vperm.xlane v22, v3  }
0x75: {  	v27 =	vperm.xlane v28, v6;
	v31 =	vadd.f32 v31, v34;
	v53 =	vperm.xlane v16, v3  }
0x76: {  	v38 =	vperm.xlane v36, v5;
	(erf) = vpow2.f32 v35;
	v30 =	vadd.f32 v30, v32  }
0x77: {  	v54 =	vperm.xlane v24, v6;
	v23 =	vadd.f32 v23, v26;
	v20 =	vadd.f32 v21, v20  }
0x78: {  	v56 =	vperm.xlane v29, v4;
	v37 =	vadd.f32 v19, v37;
	v27 =	vadd.f32 v28, v27  }
0x79: {  	v39 =	vpop (erf);
	v60 =	vperm.xlane v33, v4;
	v55 =	vadd.f32 v36, v38;
	v58 =	vadd.f32 v16, v53  }
0x7a: {  	v29 =	vadd.f32 v29, v56;
	v61 =	vperm.xlane v30, v6;
	v43 =	vperm.xlane v39, v3  }
0x7b: {  	v57 =	vpop (erf);
	v24 =	vadd.f32 v24, v54;
	v54 =	vperm.xlane v23, v5;
	v59 =	vperm.xlane v37, v4  }
0x7c: {  	v25 =	vadd.f32 v22, v25;
	v15 =	vmul.f32 v57, v15;
	v62 =	vperm.xlane v55, v6  }
0x7d: {  	v33 =	vadd.f32 v33, v60;
	v63 =	vperm.xlane v58, v4;
	v40 =	vperm.xlane v29, v5  }
0x7e: {  	v30 =	vadd.f32 v30, v61;
	(erf) = vrcp.f32 v24;
	v45 =	vadd.f32 v39, v43  }
0x7f: {  	v57 =	vperm.xlane v25, v4;
	v23 =	vadd.f32 v23, v54;
	(erf) = vrcp.f32 v31  }
0x80: {  	v34 =	vadd.f32 v37, v59;
	v48 =	vperm.xlane v33, v5;
	v59 =	vperm.xlane v20, v4  }
0x81: {  	v28 =	vadd.f32 v55, v62;
	v29 =	vadd.f32 v29, v40;
	(erf) = vrcp.f32 v30;
	v47 =	vpop (erf)  }
0x82: {  	v32 =	vadd.f32 v58, v63;
	v55 =	vperm.xlane v45, v4;
	v60 =	vperm.xlane v23, v6;
	v36 =	vpop (erf)  }
0x83: {  	v25 =	vadd.f32 v25, v57;
	v42 =	vperm.xlane v34, v5;
	v51 =	vperm.xlane v36, v3  }
0x84: {  	v30 =	vadd.f32 v33, v48;
	v46 =	vperm.xlane v29, v6;
	v50 =	vperm.xlane v32, v5  }
0x85: {  	v44 =	vadd.f32 v34, v42;
	(erf) = vrcp.f32 v28;
	v53 =	vadd.f32 v36, v51  }
0x86: {  	v58 =	vperm.xlane v30, v6;
	v49 =	vadd.f32 v29, v46;
	v29 =	vadd.f32 v32, v50  }
0x87: {  	v20 =	vadd.f32 v20, v59;
	v52 =	vperm.xlane v44, v6;
	v56 =	vperm.xlane v53, v4  }
0x88: {  	v26 =	vadd.f32 v45, v55;
	(erf) = vrcp.f32 v49;
	v63 =	vperm.xlane v29, v6  }
0x89: {  	(erf) = vrcp.f32 v27;
	v24 =	vadd.f32 v44, v52;
	v27 =	vadd.f32 v53, v56  }
0x8a: {  	v23 =	vadd.f32 v23, v60;
	v61 =	vperm.xlane v26, v5;
	v28 =	vadd.f32 v30, v58  }
0x8b: {  	v40 =	vadd.f32 v29, v63;
	(erf) = vrcp.f32 v24;
	v62 =	vperm.xlane v27, v5  }
0x8c: {  	v38 =	vperm.xlane v20, v5;
	v24 =	vadd.f32 v26, v61;
	(erf) = vrcp.f32 v28  }
0x8d: {  	v37 =	vperm.xlane v25, v5;
	(erf) = vrcp.f32 v40;
	v27 =	vadd.f32 v27, v62  }
0x8e: {  	v20 =	vadd.f32 v20, v38;
	v43 =	vpop (erf);
	v41 =	vperm.xlane v24, v6;
	(erf) = vrcp.f32 v23  }
0x8f: {  	v25 =	vadd.f32 v25, v37;
	v45 =	vpop (erf);
	v42 =	vperm.xlane v27, v6  }
0x90: {  	v9 =	vmul.f32 v47, v9;
	v44 =	vperm.xlane v20, v6;
	v47 =	vpop (erf);
	v24 =	vadd.f32 v24, v41  }
0x91: {  	v46 =	vperm.xlane v25, v6;
	v49 =	vpop (erf);
	v26 =	vadd.f32 v27, v42  }
0x92: {  	[tilespmem:s20+$0xFFFFFFF0] =	vst v15;
	v48 =	vmul.f32 v43, v11;
	v20 =	vadd.f32 v20, v44;
	(erf) = vrcp.f32 v24;
	v52 =	vpop (erf)  }
0x93: {  	[tilespmem:s20+$0x30] =	vst v9;
	v50 =	vadd.f32 v25, v46;
	v12 =	vmul.f32 v45, v12;
	v54 =	vpop (erf);
	(erf) = vrcp.f32 v26  }
0x94: {  	[tilespmem:s20+$0xFFFFFFC0] =	vst v48;
	v8 =	vmul.f32 v52, v8;
	v55 =	vpop (erf);
	(erf) = vrcp.f32 v20  }
0x95: {  	v51 =	vmul.f32 v47, v13;
	[tilespmem:s20+$0x20] =	vst v12;
	v56 =	vpop (erf);
	(erf) = vrcp.f32 v50  }
0x96: {  	[tilespmem:s20+$0x10] =	vst v8;
	v8 =	vmul.f32 v55, v19;
	v58 =	vpop (erf)  }
0x97: {  	s21 =	sadd.s32 $0x80, s19;
	[tilespmem:s20+$0x0] =	vst v51;
	v53 =	vmul.f32 v49, v18;
	v59 =	vpop (erf)  }
0x98: {  	v57 =	vmul.f32 v54, v10;
	[tilespmem:s21+$0xFFFFFFF0] =	vst v8;
	v8 =	vmul.f32 v59, v14  }
0x99: {  	[tilespmem:s20+$0xFFFFFFD0] =	vst v53;
	v60 =	vmul.f32 v56, v17  }
0x9a: {  	[tilespmem:s20+$0xFFFFFFE0] =	vst v57  }
0x9b: {  	v10 =	vmul.f32 v58, v16;
	[tilespmem:s21+$0x30] =	vst v60;
	v61 =	vpop (erf)  }
0x9c: {  	[tilespmem:s21+$0x20] =	vst v8;
	v9 =	vmul.f32 v61, v39;
	v8 =	vpop (erf)  }
0x9d: {  	[tilespmem:s21+$0xFFFFFFC0] =	vst v10;
	v62 =	vpop (erf);
	v8 =	vmul.f32 v8, v36  }
0x9e: {  	[tilespmem:s21+$0x0] =	vst v9;
	v63 =	vpop (erf);
	v10 =	vmul.f32 v62, v21  }
0x9f: {  	[tilespmem:s21+$0xFFFFFFD0] =	vst v8;
	v8 =	vmul.f32 v63, v22  }
0xa0: {  	[tilespmem:s21+$0x10] =	vst v10  }
0xa1: {  	s19 =	simm.s32 $0x0;
	[tilespmem:s21+$0xFFFFFFE0] =	vst v8  }
.LBB2_5:
0xa2: {  	s20 =	sshra.s32 s19, $0x2  }
0xa3: {  	s21 =	sadd.s32 s20, s17  }
0xa4: {  	v8 =	vld [tilespmem:s21+$0x0];
	_ =	sdelay $0x4  }
0xa5: {  	v8 =	vmul.f32 v8, v7;
	_ =	sdelay $0x1  }
0xa6: {  	v8 =	vmul.f32 $1.442695020e+00, v8;
	_ =	sdelay $0x1  }
0xa7: {  	(erf) = vpow2.f32 v8;
	_ =	sdelay $0x8  }
0xa8: {  	v8 =	vpop (erf)  }
0xa9: {  	v9 =	vperm.xlane v8, v0;
	_ =	sdelay $0x1  }
0xaa: {  	v9 =	vadd.f32 v8, v9;
	_ =	sdelay $0x1  }
0xab: {  	v10 =	vperm.xlane v9, v1;
	_ =	sdelay $0x1  }
0xac: {  	v9 =	vadd.f32 v9, v10;
	_ =	sdelay $0x1  }
0xad: {  	v10 =	vperm.xlane v9, v2;
	_ =	sdelay $0x1  }
0xae: {  	v9 =	vadd.f32 v9, v10;
	_ =	sdelay $0x1  }
0xaf: {  	v10 =	vperm.xlane v9, v6;
	_ =	sdelay $0x1  }
0xb0: {  	v9 =	vadd.f32 v9, v10;
	_ =	sdelay $0x1  }
0xb1: {  	(erf) = vrcp.f32 v9;
	_ =	sdelay $0x6  }
0xb2: {  	p1 =	sne.s32 s19, $0xC0  }
.Ltmp1:
0xb3: {  	_ = 	snop;
	(pc) =	sbr.rel @p1 .LBB2_5-.Ltmp1, $4  }
0xb4: {  	v9 =	vpop (erf)  }
0xb5: {  	v8 =	vmul.f32 v9, v8  }
0xb6: {  	s20 =	sadd.s32 s20, s16  }
0xb7: {  	s19 =	sadd.s32 $0x40, s19;
	[tilespmem:s20+$0x0] =	vst v8  }
0xb8: {  	s16 =	smul.u32 $0x7D00, s15;
	p1 =	sne.s32 s14, $0x14  }
.Ltmp2:
0xb9: {  	_ = 	snop;
	(pc) =	sbr.rel @p1 .LBB2_2-.Ltmp2, $4  }
0xba: {  	_ = 	snop  }
0xbb: {  	s17 =	sshll.u32 s18, $0x1;
	s31 =	sadd.s32 $0x3, s15;
	s16 =	sshrl.u32 s16, $0x2  }
0xbc: {  	p0 =	por !p0, !p0;
	s17 =	sadd.s32 s3, s17;
	s16 =	sadd.s32 $0x3E90, s16  }
0xbd: {  	[hbm4b:s17+s4] =	stream.linear.scatter [tilespmem:s16], [sflag:s31], $0x1F40, $0x38;
	[tilespmem:$0x7D10] =	vst v63  }
0xbe: {  	s13 =	sadd.s32 $0x1, s13  }
0xbf: {  	_ =	swait.ge [sflag:s11], $0x1F40;
	p0 =	sne.s32 s13, s8  }
.Ltmp3:
0xc0: {  	[sflag:s11] =	ssyncset.done $0x0;
	(pc) =	sbr.rel @p0 .LBB2_1-.Ltmp3, $4  }
0xc1: {  	[sflag:s11] =	ssyncadd.s32 $0xFFFFE0C0  }
0xc2: {  	_ =	swait.ge [sflag:s12], $0x1F40  }
0xc3: {  	[sflag:s12] =	ssyncset.done $0x0  }
0xc4: {  	[sflag:s12] =	ssyncadd.s32 $0xFFFFE0C0  }
0xc5: {  	_ =	sfence.sel $0x180000  }
0xc6: {  	[bflag:$0x0] =	sbarrier.arrive $0xFFFF  }
0xc7: {  	p0 =	sne.s32 s1, $0x0;
	_ =	strace $0x90000047  }
0xc8: {  	s0 =	sadd.s32 @!p0 $0x100000, s2;
	[bflag:$0x2] =	sbarrier.arrive $0xFFFF  }
0xc9: {  	[sflag:s0] =	ssyncadd.tile.s32 @!p0 $0x1;
	_ =	shalt  }
.Lfunc_end2:
_tile_overlayer_lowered:
.L_overlay_start_2:
0xca: {  	(tag) =	ssettag $0x2  }
0xcb: {  	s0 =	rddreg [dreg:$0x0];
	s2 =	stileid.u32  }
0xcc: {  	s1 =	rddreg [dreg:$0x1];
	p0 =	sne.s32 s2, $0x0  }
0xcd: {  	s3 =	rddreg [dreg:$0x2];
	[bflag:$0x3] =	sbarrier.arrive $0xFFFF;
	s2 =	simm.s32 @!p0 $0x1C05  }
0xce: {  	[timem:s3], [sflag:s2] =	dma.local @!p0 [hbm:s0], s1  }
0xcf: {  	s0 =	simm.s32 @!p0 $0x5  }
0xd0: {  	_ =	swait.ge @!p0 [sflag:s0], s1  }
0xd1: {  	s1 =	ssub.s32 @!p0 $0x0, s1;
	[sflag:s0] =	ssyncset.done @!p0 $0x0  }
0xd2: {  	[sflag:s0] =	ssyncadd.s32 @!p0 s1  }
0xd3: {  	[bflag:$0x3] =	sbarrier.arrive $0xFFFF  }
0xd4: {  	_ =	shalt  }

// kernel: kernel.7.cloned.1.call-start
scs
__scs_entry_jumppad:
0x0: {  	(pc) =	sbr.rel $0x88, $3  }
0x1: {  	(tag) =	ssettag $0x0;
	lr =	simm.s32 $0x1  }
0x2: {  	[smem:$0x3F9E] =	sst lr;
	_ =	strace $0xD0000000  }
0x3: {  	_ = 	snop  }
0x4: {  	_ = 	snop  }
0x5: {  	_ = 	snop  }
0x6: {  	_ = 	snop  }
0x7: {  	_ = 	snop  }
__scs_overlays_trampoline_lowered:
0x8: {  	[smem:$0x3FAD] =	sst s0  }
0x9: {  	[smem:$0x3FAE] =	sst s1  }
0xa: {  	[smem:$0x3FAF] =	sst s2  }
0xb: {  	[smem:$0x3FB0] =	sst s3  }
0xc: {  	[smem:$0x3FB1] =	sst s4  }
0xd: {  	[smem:$0x3FB2] =	sst s5  }
0xe: {  	[smem:$0x3FB3] =	sst s6  }
0xf: {  	[smem:$0x3FB4] =	sst s7  }
0x10: {  	[smem:$0x3FB5] =	sst s8  }
0x11: {  	[smem:$0x3FB6] =	sst s9;
	s0 =	simm.s32 @!p0 $0x0  }
0x12: {  	s1 =	sld [smem:$0x3F9C];
	s0 =	simm.s32 @p0 $0x1  }
0x13: {  	[smem:$0x3FB7] =	sst s0;
	s0 =	simm.s32 @!p1 $0x0  }
0x14: {  	s2 =	sld [smem:$0x3F9B];
	s0 =	simm.s32 @p1 $0x1  }
0x15: {  	[smem:$0x3FB8] =	sst s0;
	s0 =	simm.s32 @!p2 $0x0  }
0x16: {  	s3 =	sld [smem:$0x3FDB];
	s0 =	simm.s32 @p2 $0x1  }
0x17: {  	s4 =	simm.s32 $0x1BF5;
	[smem:$0x3FBA] =	sst s0  }
0x18: {  	s0 =	sld [smem:$0x3F9D];
	_ =	swait.ge [sflag:s4], $0x0  }
0x19: {  	s7 =	sld [smem:$0x3F9E]  }
0x1a: {  	s8 =	sadd.s32 $0xFFFFE003, lr  }
0x1b: {  	s9 =	sadd.s32 $0xFFFFFEF7, lr;
	s5 =	simm.s32 $0xFFFFFFFF;
	p2 =	slt.u32 s8, $0xFFFFF086  }
0x1c: {  	p1 =	slt.u32 s9, $0xF7A;
	s5 =	simm.s32 @!p2 $0x0  }
0x1d: {  	s5 =	simm.s32 @p1 $0x1;
	p0 =	seq.s32 s7, s2  }
0x1e: {  	s7 =	smul.u32 @!p0 $0xF7A, s2;
	p2 =	seq.s32 @!p0 s5, $0x0  }
0x1f: {  	s9 =	smul.u32 $0xF7A, s1;
	s8 =	simm.s32 @!p0 $0x1BF5;
	p2 =	por !p2, p0  }
0x20: {  	[sflag:s8] =	ssyncset.s32 @!p0 $0xFFFFF086;
	s6 =	sadd.s32 @!p0 s3, s7;
	s7 =	simm.s32 @!p0 $0x108  }
0x21: {  	s3 =	sadd.s32 s3, s9;
	s6 =	sadd.s32 @!p0 $0x88, s6;
	s7 =	simm.s32 @p2 $0x1082  }
0x22: {  	[simem:s7], [sflag:s8] =	dma.local @!p0 [hbm:s6], $0xF7A  }
0x23: {  	s9 =	sor.u32 $0xD0000000, s2;
	s6 =	simm.s32 $0x108;
	_ =	swait.ge @!p0 [sflag:s8], $0x0  }
0x24: {  	s3 =	sadd.s32 $0x88, s3;
	s6 =	simm.s32 @!p1 $0x1082;
	[sflag:s4] =	ssyncset.s32 $0xFFFFF086  }
0x25: {  	[simem:s6], [sflag:s4] =	dma.local [hbm:s3], $0xF7A  }
0x26: {  	[smem:$0x3F9E] =	sst s1;
	(tag) =	ssettag s2;
	_ =	strace s9  }
0x27: {  	s1 =	sld [smem:$0x3FAE]  }
0x28: {  	s2 =	sld [smem:$0x3FAF]  }
0x29: {  	s4 =	sld [smem:$0x3FB1]  }
0x2a: {  	p0 =	seq.s32 s5, $0x0;
	s5 =	sld [smem:$0x3FB2]  }
0x2b: {  	s6 =	sld [smem:$0x3FB3]  }
0x2c: {  	s7 =	sld [smem:$0x3FB4]  }
0x2d: {  	s3 =	simm.s32 $0x108;
	s8 =	sld [smem:$0x3FB5]  }
0x2e: {  	s3 =	simm.s32 @!p0 $0x1082;
	s9 =	sld [smem:$0x3FB6]  }
0x2f: {  	lr =	sadd.s32 s0, s3;
	s0 =	sld [smem:$0x3FAD]  }
0x30: {  	s3 =	sld [smem:$0x3FB0]  }
0x31: {  	[smem:$0x3FB9] =	sst s10  }
0x32: {  	s10 =	sld [smem:$0x3FB7];
	_ =	sdelay $0x3  }
0x33: {  	p0 =	seq.s32 s10, $0x1;
	s10 =	sld [smem:$0x3FB9];
	_ =	sdelay $0x3  }
0x34: {  	[smem:$0x3FB9] =	sst s10  }
0x35: {  	s10 =	sld [smem:$0x3FB8];
	_ =	sdelay $0x3  }
0x36: {  	p1 =	seq.s32 s10, $0x1;
	s10 =	sld [smem:$0x3FB9];
	_ =	sdelay $0x3  }
0x37: {  	[smem:$0x3FB9] =	sst s10  }
0x38: {  	s10 =	sld [smem:$0x3FBA]  }
0x39: {  	_ = 	snop;
	(pc) =	sbr.ind lr, $3  }
0x3a: {  	_ = 	snop  }
0x3b: {  	_ = 	snop  }
0x3c: {  	p2 =	seq.s32 s10, $0x1;
	s10 =	sld [smem:$0x3FB9]  }
0x3d: {  	_ =	shalt  }
0x3e: {  	_ =	shalt  }
0x3f: {  	_ =	shalt  }
0x40: {  	_ =	shalt  }
0x41: {  	_ =	shalt  }
0x42: {  	_ =	shalt  }
0x43: {  	_ =	shalt  }
0x44: {  	_ =	shalt  }
0x45: {  	_ =	shalt  }
0x46: {  	_ =	shalt  }
0x47: {  	_ =	shalt  }
0x48: {  	_ =	shalt  }
0x49: {  	_ =	shalt  }
0x4a: {  	_ =	shalt  }
0x4b: {  	_ =	shalt  }
0x4c: {  	_ =	shalt  }
0x4d: {  	_ =	shalt  }
0x4e: {  	_ =	shalt  }
0x4f: {  	_ =	shalt  }
0x50: {  	_ =	shalt  }
0x51: {  	_ =	shalt  }
0x52: {  	_ =	shalt  }
0x53: {  	_ =	shalt  }
0x54: {  	_ =	shalt  }
0x55: {  	_ =	shalt  }
0x56: {  	_ =	shalt  }
0x57: {  	_ =	shalt  }
0x58: {  	_ =	shalt  }
0x59: {  	_ =	shalt  }
0x5a: {  	_ =	shalt  }
0x5b: {  	_ =	shalt  }
0x5c: {  	_ =	shalt  }
0x5d: {  	_ =	shalt  }
0x5e: {  	_ =	shalt  }
0x5f: {  	_ =	shalt  }
0x60: {  	_ =	shalt  }
0x61: {  	_ =	shalt  }
0x62: {  	_ =	shalt  }
0x63: {  	_ =	shalt  }
0x64: {  	_ =	shalt  }
0x65: {  	_ =	shalt  }
0x66: {  	_ =	shalt  }
0x67: {  	_ =	shalt  }
0x68: {  	_ =	shalt  }
0x69: {  	_ =	shalt  }
0x6a: {  	_ =	shalt  }
0x6b: {  	_ =	shalt  }
0x6c: {  	_ =	shalt  }
0x6d: {  	_ =	shalt  }
0x6e: {  	_ =	shalt  }
0x6f: {  	_ =	shalt  }
0x70: {  	_ =	shalt  }
0x71: {  	_ =	shalt  }
0x72: {  	_ =	shalt  }
0x73: {  	_ =	shalt  }
0x74: {  	_ =	shalt  }
0x75: {  	_ =	shalt  }
0x76: {  	_ =	shalt  }
0x77: {  	_ =	shalt  }
0x78: {  	_ =	shalt  }
0x79: {  	_ =	shalt  }
0x7a: {  	_ =	shalt  }
0x7b: {  	_ =	shalt  }
0x7c: {  	_ =	shalt  }
0x7d: {  	_ =	shalt  }
0x7e: {  	_ =	shalt  }
0x7f: {  	_ =	shalt  }
0x80: {  	_ =	shalt  }
0x81: {  	_ =	shalt  }
0x82: {  	_ =	shalt  }
0x83: {  	_ =	shalt  }
0x84: {  	_ =	shalt  }
0x85: {  	_ =	shalt  }
0x86: {  	_ =	shalt  }
0x87: {  	_ =	shalt  }
.Lfunc_end0:
.L_simem_size_0:
called_computation.1_lowered:
.L_overlay_start_0:
0x88: {  	s2 =	sld [smem:$0x3FD9]  }
0x89: {  	s3 =	sld [smem:$0x3FFE];
	_ =	sdelay $0x1  }
0x8a: {  	s1 =	srdreg.scid  }
0x8b: {  	s0 =	sand.u32 $0x1, s1  }
0x8c: {  	s17 =	sshll.u32 s0, $0xA;
	s2 =	sadd.s32 s3, s2  }
0x8d: {  	s2 =	sadd.s32 s2, s17  }
0x8e: {  	[smem:$0x3FC5] =	sst s2  }
0x8f: {  	_ = 	snop  }
0x90: {  	(tm) =	ssettm $0x1  }
0x91: {  	s18 =	sld [smem:$0x3FFB];
	_ =	sdelay $0x3  }
0x92: {  	_ =	strace s18  }
0x93: {  	s2 =	sld [smem:$0x3FFC];
	_ =	sdelay $0x3  }
0x94: {  	_ =	strace s2  }
0x95: {  	s2 =	sld [smem:$0x3FFD];
	_ =	sdelay $0x3  }
0x96: {  	_ =	strace s2  }
0x97: {  	_ =	strace $0x8FFFFFFF  }
0x98: {  	s19 =	sld [smem:$0x3FDB];
	_ =	sdelay $0x1  }
0x99: {  	s20 =	simm.s32 $_scs_section_size  }
0x9a: {  	s4 =	simm.s32 $_size__tile_overlayer_lowered;
	s5 =	simm.s32 $_tile_overlayer_lowered  }
0x9b: {  	s6 =	simm.s32 $0x1BFF;
	s21 =	sshll.u32 s5, $0x1;
	s3 =	sadd.s32 s20, s19  }
0x9c: {  	s22 =	simm.s32 $0x0;
	s4 =	sshll.u32 s4, $0x1;
	s5 =	sadd.s32 s21, s3  }
0x9d: {  	[timem:s22], [sflag:s6] =	dma.local [hbm:s5], s4  }
0x9e: {  	_ =	swait.ge [sflag:s6], s4  }
0x9f: {  	s4 =	ssub.s32 $0x0, s4;
	[sflag:s6] =	ssyncset.done $0x0  }
0xa0: {  	[sflag:s6] =	ssyncadd.s32 s4;
	_ =	sdelay $0x1  }
0xa1: {  	s23 =	simm.s32 $0x1B8B  }
0xa2: {  	_ =	swait.ge [sflag:s23], $0x1  }
0xa3: {  	[sflag:s23] =	ssyncset.done $0x0  }
0xa4: {  	[sflag:s23] =	ssyncadd.s32 $0xFFFFFFFF  }
0xa5: {  	s4 =	sld [smem:$0x0]  }
0xa6: {  	s5 =	sand.u32 $0xFFFFFFFE, s1  }
0xa7: {  	p0 =	sne.s32 s1, s5  }
0xa8: {  	s5 =	sshll.u32 @p0 s5, $0xE  }
0xa9: {  	s5 =	sadd.s32 @p0 $0x11B8D, s5;
	s6 =	sshll.u32 @p0 s4, $0x11  }
0xaa: {  	s5 =	sor.u32 @p0 s6, s5  }
0xab: {  	[sflag:s5] =	ssyncadd.remote.s32 @p0 $0x1;
	_ =	sdelay $0x1  }
0xac: {  	s5 =	simm.s32 @p0 $0x1B8D  }
0xad: {  	_ =	swait.eq @p0 [sflag:s5], $0x1  }
0xae: {  	[sflag:s5] =	ssyncadd.s32 @p0 $0xFFFFFFFF  }
0xaf: {  	s6 =	sshll.u32 @!p0 s1, $0xE  }
0xb0: {  	s6 =	sor.u32 @!p0 $0x4000, s6;
	s5 =	simm.s32 @!p0 $0x1B8D  }
0xb1: {  	s4 =	sshll.u32 @!p0 s4, $0x11;
	s6 =	sadd.s32 @!p0 $0x11B8D, s6;
	_ =	swait.eq @!p0 [sflag:s5], $0x1  }
0xb2: {  	s4 =	sor.u32 @!p0 s4, s6;
	[sflag:s5] =	ssyncadd.s32 @!p0 $0xFFFFFFFF  }
0xb3: {  	s25 =	simm.s32 $0x1B8E;
	s24 =	sld [smem:$0x3FFE];
	[sflag:s4] =	ssyncadd.remote.s32 @!p0 $0x1  }
0xb4: {  	s26 =	simm.s32 $execute0_lowered;
	[smem:$0x3FD2] =	sst s25  }
0xb5: {  	s5 =	sshll.u32 s26, $0x1;
	_ =	strace $0x80000049;
	[dreg:$0x1] =	wrdreg $0xFFFFFFFF  }
0xb6: {  	s28 =	simm.s32 $_size_execute0_lowered;
	s3 =	sadd.s32 s3, s5;
	[dreg:$0x0] =	wrdreg $0x0  }
0xb7: {  	s5 =	sshll.u32 s28, $0x1;
	[dreg:$0x2] =	wrdreg s3  }
0xb8: {  	[dreg:$0x3] =	wrdreg s5  }
0xb9: {  	[dreg:$0x4] =	wrdreg $0xC0  }
0xba: {  	_ =	task [dreg:s22], $0x5FFFF  }
0xbb: {  	[dreg:$0x1] =	wrdreg $0xFFFFFFFF  }
0xbc: {  	[dreg:$0x0] =	wrdreg $0x60  }
0xbd: {  	[dreg:$0x2] =	wrdreg s24  }
0xbe: {  	[dreg:$0x3] =	wrdreg $0xA  }
0xbf: {  	_ =	task.clear_ibuf [dreg:s22], $0x4FFFF;
	_ =	strace $0x90000049  }
0xc0: {  	s29 =	simm.s32 $0xA;
	_ =	strace $0x8000004B  }
0xc1: {  	_ =	swait.ge [sflag:s29], $0x1  }
0xc2: {  	[sflag:s29] =	ssyncadd.s32 $0xFFFFFFFF  }
0xc3: {  	_ =	strace $0x9000004B  }
0xc4: {  	_ =	sfence  }
0xc5: {  	s30 =	sld [smem:$0x0];
	_ =	sdelay $0x2  }
0xc6: {  	s31 =	sshll.u32 s1, $0xD;
	s1 =	sshrl.u32 s1, $0x2  }
0xc7: {  	s4 =	sand.u32 $0x4000, s31;
	s1 =	sadd.s32 s1, s30  }
0xc8: {  	s0 =	sor.u32 s4, s0;
	s1 =	sshll.u32 s1, $0x11  }
0xc9: {  	s0 =	sor.u32 s1, s0  }
0xca: {  	s0 =	sadd.s32 $0x8F2B, s0  }
0xcb: {  	[sflag:s0] =	ssyncadd.remote.s32 $0x1  }
0xcc: {  	_ =	sfence.sel $0xFFFF  }
0xcd: {  	[dreg:$0x0] =	wrdreg $0xFFFFFFFF;
	(pc) =	sbr.abs _section_cstart, $3  }
0xce: {  	[dreg:$0x1] =	wrdreg $0xFFFFFFFF  }
0xcf: {  	_ =	task.clear_ibuf [dreg:s22], $0x2FFFF;
	_ =	strace $0x9FFFFFFF  }
0xd0: {  	(tm) =	ssettm $0x7FFFFFFF  }
0xd1: {  	_ =	shalt  }
tec
execute0_lowered:
.L_overlay_start_1:
0x0: {  	(tag) =	ssettag $0x1  }
0x1: {  	v0 =	vimm.s32 $0xEFCDAB89;
	v1 =	vimm.s32 $0x67452301  }
0x2: {  	v2 =	vimm.s32 $0xDCFE98BA;
	v3 =	vimm.s32 $0x54761032;
	v4 =	vimm.s32 $0xBA98FEDC  }
0x3: {  	v5 =	vimm.s32 $0x32107654;
	v6 =	vimm.s32 $0xFEDCBA98;
	v7 =	vimm.s32 $0x76543210  }
0x4: {  	s5 =	rddreg [dreg:$0x0];
	v0 =	vunpack.c.l.s4.s8 v0;
	v1 =	vunpack.c.l.s4.s8 v1;
	v2 =	vunpack.c.l.s4.s8 v2  }
0x5: {  	s0 =	rddreg [dreg:$0x1];
	s2 =	simm.s32 $0x0;
	s3 =	srdreg.scid;
	v3 =	vunpack.c.l.s4.s8 v3;
	v4 =	vunpack.c.l.s4.s8 v4;
	v5 =	vunpack.c.l.s4.s8 v5  }
0x6: {  	s1 =	stileid.u32;
	s10 =	simm.s32 $0x10;
	s11 =	simm.s32 $0x3;
	v6 =	vunpack.c.l.s4.s8 v6;
	v7 =	vunpack.c.l.s4.s8 v7;
	v0 =	vunpack.c.0.s8.s32 v0  }
0x7: {  	s12 =	simm.s32 $0x4;
	s13 =	simm.s32 $0x0;
	[smem:$0x7FF] =	sst s2;
	v1 =	vunpack.c.0.s8.s32 v1;
	v2 =	vunpack.c.0.s8.s32 v2;
	v3 =	vunpack.c.0.s8.s32 v3  }
0x8: {  	s4 =	sand.u32 $0x1, s3;
	s31 =	sshll.u32 s1, $0x1;
	s3 =	sadd.s32 $0x1C00, s5;
	v4 =	vunpack.c.0.s8.s32 v4;
	v5 =	vunpack.c.0.s8.s32 v5;
	v6 =	vunpack.c.0.s8.s32 v6  }
0x9: {  	_ =	strace $0x8000004A;
	s6 =	sor.u32 s4, s31;
	s7 =	ssub.s32 $0x2, s4;
	v7 =	vunpack.c.0.s8.s32 v7;
	v0 =	vcombine.low v1, v0  }
0xa: {  	s4 =	sadd.s32 $0x4E3E00, s5;
	s8 =	smul.u32 $0x4E20, s6;
	s9 =	sshrl.u32 s7, $0x1;
	v1 =	vcombine.low v3, v2;
	v2 =	vcombine.low v5, v4;
	v6 =	vand.u32 $0xF, v6  }
0xb: {  	s5 =	sadd.s32 $0x1E00, s5;
	s6 =	smul.u32 $0x2710, s6;
	s9 =	ssub.s32 s7, s9;
	v6 =	vcombine.low v6, v7  }
0xc: {  	s7 =	sadd.s32 s4, s8;
	s8 =	smax.u32 s9, $0x1;
	s9 =	simm.s32 $0x5;
	v3 =	vand.u32 $0xF, v0;
	v4 =	vand.u32 $0xF, v1;
	v5 =	vand.u32 $0xF, v2  }
.LBB2_1:
0xd: {  	[tilespmem:s2], [sflag:$0x5] =	stream.linear.gather [hbm4b:s3+s2], $0x10, $0x38;
	[tilespmem:$0x7D10] =	vst v63  }
0xe: {  	_ =	swait.ge [sflag:s9], $0x10  }
0xf: {  	[sflag:s9] =	ssyncset.done $0x0  }
0x10: {  	p0 =	por $0x0, $0x0;
	s14 =	simm.s32 $0x0;
	[sflag:s9] =	ssyncadd.s32 $0xFFFFFFF0  }
0x11: {  	v7 =	vld [tilespmem:$0x0];
	[tilespmem:s10], [sflag:$0x1] =	stream.linear.gather [hbm4b:s7+s2], $0x1F40, $0x38  }
.LBB2_2:
0x12: {  	s16 =	smov.u32 s14  }
0x13: {  	s15 =	sand.u32 $0x1, s14;
	s14 =	sadd.s32 $0x1, s14;
	p1 =	seq.s32 s16, $0x13  }
0x14: {  	s18 =	smul.u32 @!p1 $0x1F4, s14  }
0x15: {  	s17 =	sxor.u32 @!p1 $0x1, s15  }
0x16: {  	s19 =	smul.u32 @!p1 $0x7D00, s17;
	s18 =	sadd.s32 @!p1 s6, s18  }
0x17: {  	s29 =	sadd.s32 $0x1, s15;
	s18 =	sshll.u32 @!p1 s18, $0x1  }
0x18: {  	s20 =	simm.s32 @!p1 $0x0;
	s19 =	sshrl.u32 @!p1 s19, $0x2;
	s18 =	sand.u32 @!p1 $0x1FFFFFF8, s18  }
0x19: {  	s17 =	sadd.s32 @!p1 $0x1, s17;
	s19 =	sor.u32 @!p1 $0x10, s19;
	s18 =	sadd.s32 @!p1 s4, s18  }
0x1a: {  	[tilespmem:s19], [sflag:s17] =	stream.linear.gather @!p1 [hbm4b:s18+s20], $0x1F40, $0x38;
	[tilespmem:$0x7D10] =	vst v63  }
0x1b: {  	s18 =	simm.s32 $0x1;
	_ =	swait.ge [sflag:s29], $0x1F40  }
0x1c: {  	p1 =	slt.u32 s16, $0x2;
	s18 =	simm.s32 @!p0 $0x0;
	[sflag:s29] =	ssyncset.done $0x0  }
0x1d: {  	s17 =	sadd.s32 @!p1 $0x3, s15;
	s18 =	smul.u32 $0x7D00, s18;
	[sflag:s29] =	ssyncadd.s32 $0xFFFFE0C0  }
0x1e: {  	_ =	swait.ge @!p1 [sflag:s17], $0x1F40  }
0x1f: {  	s18 =	sshrl.u32 s18, $0x2;
	[sflag:s17] =	ssyncset.done @!p1 $0x0  }
0x20: {  	s30 =	sadd.s32 $0x50, s18;
	[sflag:s17] =	ssyncadd.s32 @!p1 $0xFFFFE0C0  }
0x21: {  	v8 =	vld [tilespmem:s30+$0x30]  }
0x22: {  	v9 =	vld [tilespmem:s30+$0xFFFFFFF0]  }
0x23: {  	v10 =	vld [tilespmem:s30+$0x20];
	_ =	sdelay $0x2  }
0x24: {  	v11 =	vld [tilespmem:s30+$0x10];
	v8 =	vmul.f32 v8, v7  }
0x25: {  	v12 =	vld [tilespmem:s30+$0xFFFFFFC0];
	v9 =	vmul.f32 v9, v7  }
0x26: {  	v13 =	vld [tilespmem:s30+$0xFFFFFFE0];
	v10 =	vmul.f32 v10, v7;
	v8 =	vmul.f32 $1.442695020e+00, v8  }
0x27: {  	v9 =	vmul.f32 $1.442695020e+00, v9  }
0x28: {  	s31 =	sadd.s32 $0x80, s30;
	v14 =	vld [tilespmem:s30+$0x0];
	(erf) = vpow2.f32 v8;
	v8 =	vmul.f32 $1.442695020e+00, v10  }
0x29: {  	v16 =	vld [tilespmem:s31+$0x30];
	v10 =	vmul.f32 v11, v7;
	(erf) = vpow2.f32 v9  }
0x2a: {  	v19 =	vld [tilespmem:s31+$0xFFFFFFC0];
	v9 =	vmul.f32 v12, v7;
	(erf) = vpow2.f32 v8  }
0x2b: {  	v23 =	vld [tilespmem:s31+$0xFFFFFFF0];
	v8 =	vmul.f32 $1.442695020e+00, v10;
	v10 =	vmul.f32 v13, v7  }
0x2c: {  	v26 =	vld [tilespmem:s31+$0x20];
	v9 =	vmul.f32 $1.442695020e+00, v9  }
0x2d: {  	v29 =	vld [tilespmem:s31+$0x0];
	(erf) = vpow2.f32 v8;
	v8 =	vmul.f32 $1.442695020e+00, v10  }
0x2e: {  	v11 =	vmul.f32 v14, v7;
	(erf) = vpow2.f32 v9  }
0x2f: {  	v19 =	vmul.f32 v19, v7;
	(erf) = vpow2.f32 v8;
	v8 =	vld [tilespmem:s30+$0xFFFFFFD0]  }
0x30: {  	v16 =	vmul.f32 v16, v7;
	v10 =	vmul.f32 $1.442695020e+00, v11  }
0x31: {  	v23 =	vmul.f32 v23, v7;
	v26 =	vmul.f32 v26, v7  }
0x32: {  	v29 =	vmul.f32 v29, v7;
	(erf) = vpow2.f32 v10;
	v9 =	vpop (erf)  }
0x33: {  	v19 =	vmul.f32 $1.442695020e+00, v19;
	v15 =	vpop (erf);
	v13 =	vperm.xlane v9, v3  }
0x34: {  	v12 =	vpop (erf);
	v11 =	vmul.f32 v8, v7;
	v18 =	vperm.xlane v15, v3  }
0x35: {  	v16 =	vmul.f32 $1.442695020e+00, v16;
	v10 =	vperm.xlane v12, v3  }
0x36: {  	v23 =	vmul.f32 $1.442695020e+00, v23;
	v22 =	vadd.f32 v9, v13;
	v8 =	vpop (erf);
	v18 =	vadd.f32 v15, v18  }
0x37: {  	v30 =	vld [tilespmem:s31+$0x10];
	v17 =	vmul.f32 $1.442695020e+00, v11;
	v14 =	vadd.f32 v12, v10;
	v20 =	vperm.xlane v8, v3  }
0x38: {  	v28 =	vperm.xlane v22, v4;
	v11 =	vpop (erf);
	v27 =	vperm.xlane v18, v4  }
0x39: {  	v21 =	vperm.xlane v14, v4;
	v10 =	vpop (erf);
	v25 =	vperm.xlane v11, v3  }
0x3a: {  	(erf) = vpow2.f32 v17;
	v24 =	vperm.xlane v10, v3  }
0x3b: {  	v32 =	vld [tilespmem:s31+$0xFFFFFFE0];
	v13 =	vpop (erf);
	v18 =	vadd.f32 v18, v27;
	(erf) = vpow2.f32 v16;
	v16 =	vmul.f32 $1.442695020e+00, v26  }
0x3c: {  	v26 =	vmul.f32 v30, v7;
	v17 =	vperm.xlane v13, v3;
	v25 =	vadd.f32 v11, v25  }
0x3d: {  	(erf) = vpow2.f32 v23;
	v31 =	vperm.xlane v18, v5  }
0x3e: {  	v22 =	vadd.f32 v22, v28;
	(erf) = vpow2.f32 v16;
	v27 =	vperm.xlane v25, v4  }
0x3f: {  	v16 =	vadd.f32 v13, v17;
	v17 =	vmul.f32 $1.442695020e+00, v26;
	v26 =	vmul.f32 $1.442695020e+00, v29;
	v29 =	vld [tilespmem:s31+$0xFFFFFFD0]  }
0x40: {  	v28 =	vmul.f32 v32, v7;
	v23 =	vadd.f32 v25, v27;
	v25 =	vadd.f32 v18, v31  }
0x41: {  	v27 =	vadd.f32 v10, v24;
	v24 =	vperm.xlane v22, v5;
	(erf) = vpow2.f32 v17  }
0x42: {  	v17 =	vmul.f32 $1.442695020e+00, v28;
	(erf) = vpow2.f32 v19  }
0x43: {  	v14 =	vadd.f32 v14, v21;
	v21 =	vperm.xlane v23, v5;
	v28 =	vperm.xlane v25, v6  }
0x44: {  	v22 =	vadd.f32 v22, v24;
	v18 =	vpop (erf);
	(erf) = vpow2.f32 v17;
	v35 =	vmul.f32 v29, v7  }
0x45: {  	v30 =	vperm.xlane v18, v3;
	v24 =	vadd.f32 v23, v21;
	v21 =	vperm.xlane v14, v5  }
0x46: {  	v17 =	vpop (erf);
	v23 =	vadd.f32 v25, v28;
	v25 =	vperm.xlane v16, v4;
	v28 =	vperm.xlane v27, v4  }
0x47: {  	(erf) = vpow2.f32 v26;
	v19 =	vpop (erf);
	v35 =	vmul.f32 $1.442695020e+00, v35;
	v33 =	vadd.f32 v18, v30  }
0x48: {  	v31 =	vadd.f32 v14, v21;
	v14 =	vpop (erf);
	v21 =	vperm.xlane v22, v6;
	(erf) = vrcp.f32 v23  }
0x49: {  	v26 =	vadd.f32 v27, v28;
	v30 =	vadd.f32 v16, v25;
	v16 =	vperm.xlane v14, v3  }
0x4a: {  	v29 =	vadd.f32 v8, v20;
	v38 =	vperm.xlane v17, v3;
	v37 =	vperm.xlane v19, v3  }
0x4b: {  	s21 =	smul.u32 $0x1F4, s16;
	v36 =	vperm.xlane v33, v4;
	v25 =	vperm.xlane v26, v5;
	v27 =	vadd.f32 v22, v21  }
0x4c: {  	s16 =	sadd.s32 $0x5D90, s18;
	v34 =	vperm.xlane v31, v6;
	v32 =	vperm.xlane v30, v5;
	v23 =	vadd.f32 v14, v16;
	v21 =	vpop (erf)  }
0x4d: {  	s19 =	sadd.s32 $0x3ED0, s18;
	s17 =	sadd.s32 $0x1F10, s18;
	s18 =	sadd.s32 s6, s21;
	v28 =	vadd.f32 v26, v25;
	v36 =	vadd.f32 v33, v36;
	(erf) = vrcp.f32 v27;
	v16 =	vpop (erf)  }
0x4e: {  	s21 =	simm.s32 $0x8;
	s20 =	smov.u32 s19;
	s22 =	sadd.s32 $0x80, s31;
	v33 =	vadd.f32 v17, v38;
	v20 =	vperm.xlane v21, v3;
	v26 =	vperm.xlane v23, v4;
	v22 =	vpop (erf)  }
.LBB2_3:
0x4f: {  	v38 =	vld [tilespmem:s22+$0xFFFFFFF0];
	s21 =	sadd.s32 $0x8, s21;
	v39 =	vperm.xlane v22, v3;
	v40 =	vperm.xlane v28, v6;
	v31 =	vadd.f32 v31, v34;
	s19 =	sadd.s32 $0x80, s19;
	v27 =	vmovc v18  }
0x50: {  	v34 =	vperm.xlane v16, v3;
	v41 =	vperm.xlane v36, v5;
	v18 =	vld [tilespmem:s22+$0x30];
	p1 =	slt.u32 s21, $0x1E8;
	v37 =	vadd.f32 v19, v37;
	v25 =	vpop (erf)  }
0x51: {  	v42 =	vld [tilespmem:s22+$0xFFFFFFC0];
	(erf) = vpow2.f32 v35;
	v35 =	vperm.xlane v24, v6;
	v40 =	vadd.f32 v28, v40;
	v43 =	vpop (erf)  }
0x52: {  	v30 =	vadd.f32 v30, v32;
	v45 =	vperm.xlane v25, v3;
	v36 =	vadd.f32 v36, v41;
	v28 =	vmovc v8;
	v44 =	vld [tilespmem:s22+$0xFFFFFFD0]  }
0x53: {  	v34 =	vadd.f32 v16, v34;
	v41 =	vperm.xlane v37, v4;
	v43 =	vmul.f32 v43, v15;
	v15 =	vmovc v19;
	v32 =	vld [tilespmem:s22+$0x20]  }
0x54: {  	v46 =	vperm.xlane v33, v4;
	v8 =	vmovc v21;
	v24 =	vadd.f32 v24, v35;
	v35 =	vperm.xlane v30, v6;
	v19 =	vld [tilespmem:s22+$0xFFFFFFE0]  }
0x55: {  	v21 =	vmul.f32 v38, v7;
	v37 =	vadd.f32 v37, v41;
	v41 =	vperm.xlane v36, v6;
	v38 =	vld [tilespmem:s22+$0x0];
	[tilespmem:s20+$0xFFFFFFF0] =	vst v43  }
0x56: {  	v47 =	vmovc v10;
	v43 =	vperm.xlane v34, v4;
	v30 =	vadd.f32 v30, v35;
	v42 =	vmul.f32 v42, v7  }
0x57: {  	v33 =	vadd.f32 v33, v46;
	v46 =	vperm.xlane v29, v4;
	v48 =	vmul.f32 v18, v7;
	v35 =	vld [tilespmem:s22+$0x10];
	v10 =	vpop (erf)  }
0x58: {  	v36 =	vadd.f32 v36, v41;
	v42 =	vmul.f32 $1.442695020e+00, v42;
	v41 =	vmul.f32 v10, v9;
	v9 =	vmovc v17;
	v10 =	vmovc v22  }
0x59: {  	v17 =	vmul.f32 $1.442695020e+00, v48;
	v22 =	vadd.f32 v34, v43;
	v34 =	vperm.xlane v37, v5  }
0x5a: {  	v29 =	vadd.f32 v29, v46;
	v32 =	vmul.f32 v32, v7;
	v18 =	vpop (erf);
	[tilespmem:s20+$0x30] =	vst v41;
	(erf) = vrcp.f32 v24  }
0x5b: {  	v24 =	vmul.f32 v38, v7;
	v34 =	vadd.f32 v37, v34;
	(erf) = vrcp.f32 v31  }
0x5c: {  	v37 =	vperm.xlane v29, v5;
	v31 =	vmul.f32 v35, v7;
	v35 =	vadd.f32 v25, v45  }
0x5d: {  	v21 =	vmul.f32 $1.442695020e+00, v21;
	(erf) = vpow2.f32 v17  }
0x5e: {  	v29 =	vadd.f32 v29, v37;
	v17 =	vmul.f32 $1.442695020e+00, v31;
	(erf) = vrcp.f32 v30  }
0x5f: {  	v30 =	vmul.f32 $1.442695020e+00, v32;
	(erf) = vpow2.f32 v21;
	v21 =	vadd.f32 v10, v39  }
0x60: {  	v32 =	vmul.f32 $1.442695020e+00, v24;
	v24 =	vperm.xlane v29, v6  }
0x61: {  	v37 =	vperm.xlane v33, v5;
	(erf) = vpow2.f32 v30  }
0x62: {  	v23 =	vadd.f32 v23, v26;
	v19 =	vmul.f32 v19, v7;
	v24 =	vadd.f32 v29, v24  }
0x63: {  	v26 =	vperm.xlane v22, v5;
	v29 =	vpop (erf);
	(erf) = vrcp.f32 v36  }
0x64: {  	v31 =	vperm.xlane v18, v3;
	v33 =	vadd.f32 v33, v37;
	(erf) = vrcp.f32 v24;
	v30 =	vpop (erf)  }
0x65: {  	v36 =	vperm.xlane v34, v6;
	(erf) = vpow2.f32 v17  }
0x66: {  	v24 =	vadd.f32 v22, v26;
	v39 =	vmul.f32 v30, v12;
	v17 =	vpop (erf);
	(erf) = vrcp.f32 v40  }
0x67: {  	v37 =	vadd.f32 v18, v31;
	v22 =	vmul.f32 $1.442695020e+00, v19;
	(erf) = vpow2.f32 v42;
	v26 =	vpop (erf)  }
0x68: {  	v31 =	vperm.xlane v23, v5;
	v36 =	vadd.f32 v34, v36;
	v30 =	vperm.xlane v35, v4;
	v19 =	vpop (erf);
	[tilespmem:s20+$0x20] =	vst v39  }
0x69: {  	v38 =	vperm.xlane v37, v4;
	v12 =	vmov v14;
	(erf) = vpow2.f32 v22  }
0x6a: {  	v31 =	vadd.f32 v23, v31;
	v34 =	vperm.xlane v21, v4;
	v22 =	vmul.f32 v44, v7;
	v14 =	vpop (erf)  }
0x6b: {  	v23 =	vperm.xlane v33, v6;
	v29 =	vmul.f32 v29, v11;
	v11 =	vmov v16  }
0x6c: {  	v39 =	vadd.f32 v21, v34;
	v34 =	vperm.xlane v31, v6;
	(erf) = vpow2.f32 v32;
	v16 =	vpop (erf)  }
0x6d: {  	v30 =	vadd.f32 v35, v30;
	v35 =	vmul.f32 v26, v13;
	(erf) = vrcp.f32 v36;
	[tilespmem:s20+$0xFFFFFFC0] =	vst v29;
	v26 =	vpop (erf)  }
0x6e: {  	v41 =	vadd.f32 v33, v23;
	v40 =	vperm.xlane v39, v5;
	v36 =	vperm.xlane v14, v3;
	v21 =	vpop (erf)  }
.Ltmp0:
0x6f: {  	v32 =	vperm.xlane v30, v5;
	v29 =	vadd.f32 v8, v20;
	v20 =	vmul.f32 v16, v27;
	[tilespmem:s20+$0x0] =	vst v35;
	v13 =	vpop (erf);
	(pc) =	sbr.rel @p1 .LBB2_3-.Ltmp0, $4  }
0x70: {  	v27 =	vmul.f32 v26, v28;
	v35 =	vmul.f32 $1.442695020e+00, v22;
	v23 =	vadd.f32 v14, v36;
	v16 =	vpop (erf)  }
0x71: {  	v33 =	vperm.xlane v17, v3;
	v28 =	vadd.f32 v39, v40;
	v39 =	vmul.f32 v13, v47;
	[tilespmem:s20+$0xFFFFFFD0] =	vst v20  }
0x72: {  	v36 =	vadd.f32 v37, v38;
	v20 =	vperm.xlane v21, v3;
	v26 =	vperm.xlane v23, v4;
	v22 =	vpop (erf);
	[tilespmem:s20+$0x10] =	vst v27  }
0x73: {  	s22 =	sadd.s32 $0x80, s22;
	v33 =	vadd.f32 v17, v33;
	v37 =	vperm.xlane v19, v3;
	v13 =	vmovc v25;
	(erf) = vrcp.f32 v41;
	[tilespmem:s20+$0xFFFFFFE0] =	vst v39;
	s20 =	smov.u32 s19  }
0x74: {  	v25 =	vperm.xlane v22, v3  }
0x75: {  	v27 =	vperm.xlane v28, v6;
	v31 =	vadd.f32 v31, v34;
	v53 =	vperm.xlane v16, v3  }
0x76: {  	v38 =	vperm.xlane v36, v5;
	(erf) = vpow2.f32 v35;
	v30 =	vadd.f32 v30, v32  }
0x77: {  	v54 =	vperm.xlane v24, v6;
	v23 =	vadd.f32 v23, v26;
	v20 =	vadd.f32 v21, v20  }
0x78: {  	v56 =	vperm.xlane v29, v4;
	v37 =	vadd.f32 v19, v37;
	v27 =	vadd.f32 v28, v27  }
0x79: {  	v39 =	vpop (erf);
	v60 =	vperm.xlane v33, v4;
	v55 =	vadd.f32 v36, v38;
	v58 =	vadd.f32 v16, v53  }
0x7a: {  	v29 =	vadd.f32 v29, v56;
	v61 =	vperm.xlane v30, v6;
	v43 =	vperm.xlane v39, v3  }
0x7b: {  	v57 =	vpop (erf);
	v24 =	vadd.f32 v24, v54;
	v54 =	vperm.xlane v23, v5;
	v59 =	vperm.xlane v37, v4  }
0x7c: {  	v25 =	vadd.f32 v22, v25;
	v15 =	vmul.f32 v57, v15;
	v62 =	vperm.xlane v55, v6  }
0x7d: {  	v33 =	vadd.f32 v33, v60;
	v63 =	vperm.xlane v58, v4;
	v40 =	vperm.xlane v29, v5  }
0x7e: {  	v30 =	vadd.f32 v30, v61;
	(erf) = vrcp.f32 v24;
	v45 =	vadd.f32 v39, v43  }
0x7f: {  	v57 =	vperm.xlane v25, v4;
	v23 =	vadd.f32 v23, v54;
	(erf) = vrcp.f32 v31  }
0x80: {  	v34 =	vadd.f32 v37, v59;
	v48 =	vperm.xlane v33, v5;
	v59 =	vperm.xlane v20, v4  }
0x81: {  	v28 =	vadd.f32 v55, v62;
	v29 =	vadd.f32 v29, v40;
	(erf) = vrcp.f32 v30;
	v47 =	vpop (erf)  }
0x82: {  	v32 =	vadd.f32 v58, v63;
	v55 =	vperm.xlane v45, v4;
	v60 =	vperm.xlane v23, v6;
	v36 =	vpop (erf)  }
0x83: {  	v25 =	vadd.f32 v25, v57;
	v42 =	vperm.xlane v34, v5;
	v51 =	vperm.xlane v36, v3  }
0x84: {  	v30 =	vadd.f32 v33, v48;
	v46 =	vperm.xlane v29, v6;
	v50 =	vperm.xlane v32, v5  }
0x85: {  	v44 =	vadd.f32 v34, v42;
	(erf) = vrcp.f32 v28;
	v53 =	vadd.f32 v36, v51  }
0x86: {  	v58 =	vperm.xlane v30, v6;
	v49 =	vadd.f32 v29, v46;
	v29 =	vadd.f32 v32, v50  }
0x87: {  	v20 =	vadd.f32 v20, v59;
	v52 =	vperm.xlane v44, v6;
	v56 =	vperm.xlane v53, v4  }
0x88: {  	v26 =	vadd.f32 v45, v55;
	(erf) = vrcp.f32 v49;
	v63 =	vperm.xlane v29, v6  }
0x89: {  	(erf) = vrcp.f32 v27;
	v24 =	vadd.f32 v44, v52;
	v27 =	vadd.f32 v53, v56  }
0x8a: {  	v23 =	vadd.f32 v23, v60;
	v61 =	vperm.xlane v26, v5;
	v28 =	vadd.f32 v30, v58  }
0x8b: {  	v40 =	vadd.f32 v29, v63;
	(erf) = vrcp.f32 v24;
	v62 =	vperm.xlane v27, v5  }
0x8c: {  	v38 =	vperm.xlane v20, v5;
	v24 =	vadd.f32 v26, v61;
	(erf) = vrcp.f32 v28  }
0x8d: {  	v37 =	vperm.xlane v25, v5;
	(erf) = vrcp.f32 v40;
	v27 =	vadd.f32 v27, v62  }
0x8e: {  	v20 =	vadd.f32 v20, v38;
	v43 =	vpop (erf);
	v41 =	vperm.xlane v24, v6;
	(erf) = vrcp.f32 v23  }
0x8f: {  	v25 =	vadd.f32 v25, v37;
	v45 =	vpop (erf);
	v42 =	vperm.xlane v27, v6  }
0x90: {  	v9 =	vmul.f32 v47, v9;
	v44 =	vperm.xlane v20, v6;
	v47 =	vpop (erf);
	v24 =	vadd.f32 v24, v41  }
0x91: {  	v46 =	vperm.xlane v25, v6;
	v49 =	vpop (erf);
	v26 =	vadd.f32 v27, v42  }
0x92: {  	[tilespmem:s20+$0xFFFFFFF0] =	vst v15;
	v48 =	vmul.f32 v43, v11;
	v20 =	vadd.f32 v20, v44;
	(erf) = vrcp.f32 v24;
	v52 =	vpop (erf)  }
0x93: {  	[tilespmem:s20+$0x30] =	vst v9;
	v50 =	vadd.f32 v25, v46;
	v12 =	vmul.f32 v45, v12;
	v54 =	vpop (erf);
	(erf) = vrcp.f32 v26  }
0x94: {  	[tilespmem:s20+$0xFFFFFFC0] =	vst v48;
	v8 =	vmul.f32 v52, v8;
	v55 =	vpop (erf);
	(erf) = vrcp.f32 v20  }
0x95: {  	v51 =	vmul.f32 v47, v13;
	[tilespmem:s20+$0x20] =	vst v12;
	v56 =	vpop (erf);
	(erf) = vrcp.f32 v50  }
0x96: {  	[tilespmem:s20+$0x10] =	vst v8;
	v8 =	vmul.f32 v55, v19;
	v58 =	vpop (erf)  }
0x97: {  	s21 =	sadd.s32 $0x80, s19;
	[tilespmem:s20+$0x0] =	vst v51;
	v53 =	vmul.f32 v49, v18;
	v59 =	vpop (erf)  }
0x98: {  	v57 =	vmul.f32 v54, v10;
	[tilespmem:s21+$0xFFFFFFF0] =	vst v8;
	v8 =	vmul.f32 v59, v14  }
0x99: {  	[tilespmem:s20+$0xFFFFFFD0] =	vst v53;
	v60 =	vmul.f32 v56, v17  }
0x9a: {  	[tilespmem:s20+$0xFFFFFFE0] =	vst v57  }
0x9b: {  	v10 =	vmul.f32 v58, v16;
	[tilespmem:s21+$0x30] =	vst v60;
	v61 =	vpop (erf)  }
0x9c: {  	[tilespmem:s21+$0x20] =	vst v8;
	v9 =	vmul.f32 v61, v39;
	v8 =	vpop (erf)  }
0x9d: {  	[tilespmem:s21+$0xFFFFFFC0] =	vst v10;
	v62 =	vpop (erf);
	v8 =	vmul.f32 v8, v36  }
0x9e: {  	[tilespmem:s21+$0x0] =	vst v9;
	v63 =	vpop (erf);
	v10 =	vmul.f32 v62, v21  }
0x9f: {  	[tilespmem:s21+$0xFFFFFFD0] =	vst v8;
	v8 =	vmul.f32 v63, v22  }
0xa0: {  	[tilespmem:s21+$0x10] =	vst v10  }
0xa1: {  	s19 =	simm.s32 $0x0;
	[tilespmem:s21+$0xFFFFFFE0] =	vst v8  }
.LBB2_5:
0xa2: {  	s20 =	sshra.s32 s19, $0x2  }
0xa3: {  	s21 =	sadd.s32 s20, s17  }
0xa4: {  	v8 =	vld [tilespmem:s21+$0x0];
	_ =	sdelay $0x4  }
0xa5: {  	v8 =	vmul.f32 v8, v7;
	_ =	sdelay $0x1  }
0xa6: {  	v8 =	vmul.f32 $1.442695020e+00, v8;
	_ =	sdelay $0x1  }
0xa7: {  	(erf) = vpow2.f32 v8;
	_ =	sdelay $0x8  }
0xa8: {  	v8 =	vpop (erf)  }
0xa9: {  	v9 =	vperm.xlane v8, v0;
	_ =	sdelay $0x1  }
0xaa: {  	v9 =	vadd.f32 v8, v9;
	_ =	sdelay $0x1  }
0xab: {  	v10 =	vperm.xlane v9, v1;
	_ =	sdelay $0x1  }
0xac: {  	v9 =	vadd.f32 v9, v10;
	_ =	sdelay $0x1  }
0xad: {  	v10 =	vperm.xlane v9, v2;
	_ =	sdelay $0x1  }
0xae: {  	v9 =	vadd.f32 v9, v10;
	_ =	sdelay $0x1  }
0xaf: {  	v10 =	vperm.xlane v9, v6;
	_ =	sdelay $0x1  }
0xb0: {  	v9 =	vadd.f32 v9, v10;
	_ =	sdelay $0x1  }
0xb1: {  	(erf) = vrcp.f32 v9;
	_ =	sdelay $0x6  }
0xb2: {  	p1 =	sne.s32 s19, $0xC0  }
.Ltmp1:
0xb3: {  	_ = 	snop;
	(pc) =	sbr.rel @p1 .LBB2_5-.Ltmp1, $4  }
0xb4: {  	v9 =	vpop (erf)  }
0xb5: {  	v8 =	vmul.f32 v9, v8  }
0xb6: {  	s20 =	sadd.s32 s20, s16  }
0xb7: {  	s19 =	sadd.s32 $0x40, s19;
	[tilespmem:s20+$0x0] =	vst v8  }
0xb8: {  	s16 =	smul.u32 $0x7D00, s15;
	p1 =	sne.s32 s14, $0x14  }
.Ltmp2:
0xb9: {  	_ = 	snop;
	(pc) =	sbr.rel @p1 .LBB2_2-.Ltmp2, $4  }
0xba: {  	_ = 	snop  }
0xbb: {  	s17 =	sshll.u32 s18, $0x1;
	s31 =	sadd.s32 $0x3, s15;
	s16 =	sshrl.u32 s16, $0x2  }
0xbc: {  	p0 =	por !p0, !p0;
	s17 =	sadd.s32 s5, s17;
	s16 =	sadd.s32 $0x3E90, s16  }
0xbd: {  	[hbm4b:s17+s2] =	stream.linear.scatter [tilespmem:s16], [sflag:s31], $0x1F40, $0x38;
	[tilespmem:$0x7D10] =	vst v63  }
0xbe: {  	s13 =	sadd.s32 $0x1, s13  }
0xbf: {  	_ =	swait.ge [sflag:s11], $0x1F40;
	p0 =	sne.s32 s13, s8  }
.Ltmp3:
0xc0: {  	[sflag:s11] =	ssyncset.done $0x0;
	(pc) =	sbr.rel @p0 .LBB2_1-.Ltmp3, $4  }
0xc1: {  	[sflag:s11] =	ssyncadd.s32 $0xFFFFE0C0  }
0xc2: {  	_ =	swait.ge [sflag:s12], $0x1F40  }
0xc3: {  	[sflag:s12] =	ssyncset.done $0x0  }
0xc4: {  	[sflag:s12] =	ssyncadd.s32 $0xFFFFE0C0  }
0xc5: {  	_ =	sfence.sel $0x180000  }
0xc6: {  	[bflag:$0x0] =	sbarrier.arrive $0xFFFF  }
0xc7: {  	p0 =	sne.s32 s1, $0x0;
	_ =	strace $0x9000004A  }
0xc8: {  	s0 =	sadd.s32 @!p0 $0x100000, s0;
	[bflag:$0x2] =	sbarrier.arrive $0xFFFF  }
0xc9: {  	[sflag:s0] =	ssyncadd.tile.s32 @!p0 $0x1;
	_ =	shalt  }
.Lfunc_end2:
_tile_overlayer_lowered:
.L_overlay_start_2:
0xca: {  	(tag) =	ssettag $0x2  }
0xcb: {  	s0 =	rddreg [dreg:$0x0];
	s2 =	stileid.u32  }
0xcc: {  	s1 =	rddreg [dreg:$0x1];
	p0 =	sne.s32 s2, $0x0  }
0xcd: {  	s3 =	rddreg [dreg:$0x2];
	[bflag:$0x3] =	sbarrier.arrive $0xFFFF;
	s2 =	simm.s32 @!p0 $0x1C05  }
0xce: {  	[timem:s3], [sflag:s2] =	dma.local @!p0 [hbm:s0], s1  }
0xcf: {  	s0 =	simm.s32 @!p0 $0x5  }
0xd0: {  	_ =	swait.ge @!p0 [sflag:s0], s1  }
0xd1: {  	s1 =	ssub.s32 @!p0 $0x0, s1;
	[sflag:s0] =	ssyncset.done @!p0 $0x0  }
0xd2: {  	[sflag:s0] =	ssyncadd.s32 @!p0 s1  }
0xd3: {  	[bflag:$0x3] =	sbarrier.arrive $0xFFFF  }
0xd4: {  	_ =	shalt  }

</sc_bundles>
